<compile_context>
chip_gen: v7x
topology: tpu7x:2x2x1
jax: 0.10.2.dev20260603
libtpu: 0.0.44.dev20260713+nightly
codegen_flags: <defaults>
</compile_context>

<pallas_src>
import functools

import jax
import jax.numpy as jnp
from jax import lax
from jax.experimental import pallas as pl
from jax.experimental.pallas import tpu as pltpu
from jax.experimental.pallas import tpu_sc as plsc

E = 160000
C = 256
NC = 2
NS = 16
NW = NC * NS
EPW = E // NW
CH = 40
NCHUNK = EPW // CH
LG = C // 16


def _sc_combine_body(xt_hbm, idx_hbm, out_hbm, i0_v, i1_v, i2_v, i3_v,
                     a_v, b_v, c_v, d_v, sem):
    wid = lax.axis_index("s") * NC + lax.axis_index("c")
    wbase = wid * EPW

    def chunk(ch, _):
        base = wbase + ch * CH
        pltpu.sync_copy(idx_hbm.at[pl.ds(0 * E + base, CH)], i0_v)
        pltpu.sync_copy(idx_hbm.at[pl.ds(1 * E + base, CH)], i1_v)
        pltpu.sync_copy(idx_hbm.at[pl.ds(2 * E + base, CH)], i2_v)
        pltpu.sync_copy(idx_hbm.at[pl.ds(3 * E + base, CH)], i3_v)
        cp0 = pltpu.async_copy(xt_hbm.at[i0_v], a_v, sem)
        cp1 = pltpu.async_copy(xt_hbm.at[i1_v], c_v, sem)
        cp2 = pltpu.async_copy(xt_hbm.at[i2_v], b_v, sem)
        cp3 = pltpu.async_copy(xt_hbm.at[i3_v], d_v, sem)
        cp0.wait()
        cp1.wait()
        cp2.wait()
        cp3.wait()

        def row(r, _):
            for g in range(LG):
                sl = pl.ds(g * 16, 16)
                a = a_v[r, sl]
                b = b_v[r, sl]
                a_v[r, sl] = a + b
                b_v[r, sl] = jnp.abs(a - b)
                c = c_v[r, sl]
                d = d_v[r, sl]
                c_v[r, sl] = c + d
                d_v[r, sl] = jnp.abs(c - d)
            return ()

        lax.fori_loop(0, CH, row, (), unroll=False)

        pltpu.sync_copy(a_v, out_hbm.at[0, pl.ds(base, CH)])
        pltpu.sync_copy(c_v, out_hbm.at[1, pl.ds(base, CH)])
        pltpu.sync_copy(b_v, out_hbm.at[2, pl.ds(base, CH)])
        pltpu.sync_copy(d_v, out_hbm.at[3, pl.ds(base, CH)])
        return ()

    lax.fori_loop(0, NCHUNK, chunk, (), unroll=False)


@jax.jit
def _sc_combine(xt, idx4):
    mesh = plsc.VectorSubcoreMesh(
        core_axis_name="c", subcore_axis_name="s", num_cores=NC, num_subcores=NS
    )
    f = pl.kernel(
        _sc_combine_body,
        out_type=jax.ShapeDtypeStruct((4, E, C), jnp.float32),
        mesh=mesh,
        scratch_types=[
            pltpu.VMEM((CH,), jnp.int32),
            pltpu.VMEM((CH,), jnp.int32),
            pltpu.VMEM((CH,), jnp.int32),
            pltpu.VMEM((CH,), jnp.int32),
            pltpu.VMEM((CH, C), jnp.float32),
            pltpu.VMEM((CH, C), jnp.float32),
            pltpu.VMEM((CH, C), jnp.float32),
            pltpu.VMEM((CH, C), jnp.float32),
            pltpu.SemaphoreType.DMA,
        ],
    )
    return f(xt, idx4)


def _mm1_body(xt_ref, cb_ref, w_ref, b_ref, o_ref):
    acc = jnp.dot(xt_ref[...], w_ref[0], preferred_element_type=jnp.float32)
    for j in range(4):
        acc += jnp.dot(cb_ref[j], w_ref[j + 1], preferred_element_type=jnp.float32)
    o_ref[...] = acc + b_ref[...]


@jax.jit
def _tc_mm1(xt, combo, w5, b):
    eb = 1280
    grid = (E // eb,)
    return pl.pallas_call(
        _mm1_body,
        grid=grid,
        in_specs=[
            pl.BlockSpec((eb, C), lambda i: (i, 0)),
            pl.BlockSpec((4, eb, C), lambda i: (0, i, 0)),
            pl.BlockSpec((5, C, C), lambda i: (0, 0, 0)),
            pl.BlockSpec((1, C), lambda i: (0, 0)),
        ],
        out_specs=pl.BlockSpec((eb, C), lambda i: (i, 0)),
        out_shape=jax.ShapeDtypeStruct((E, C), jnp.float32),
        compiler_params=pltpu.CompilerParams(
            dimension_semantics=("arbitrary",),
        ),
    )(xt, combo, w5, b)


def _mm2_body(h_ref, cb_ref, w_ref, b_ref, o_ref):
    dn = (((1,), (1,)), ((), ()))
    acc = lax.dot_general(w_ref[0], h_ref[...], dn, preferred_element_type=jnp.float32)
    for j in range(4):
        acc += lax.dot_general(w_ref[j + 1], cb_ref[j], dn,
                               preferred_element_type=jnp.float32)
    o_ref[...] = acc + b_ref[...]


@jax.jit
def _tc_mm2(h, combo, w5, b):
    eb = 1280
    grid = (E // eb,)
    return pl.pallas_call(
        _mm2_body,
        grid=grid,
        in_specs=[
            pl.BlockSpec((eb, C), lambda i: (i, 0)),
            pl.BlockSpec((4, eb, C), lambda i: (0, i, 0)),
            pl.BlockSpec((5, C, C), lambda i: (0, 0, 0)),
            pl.BlockSpec((C, 1), lambda i: (0, 0)),
        ],
        out_specs=pl.BlockSpec((C, eb), lambda i: (0, i)),
        out_shape=jax.ShapeDtypeStruct((C, E), jnp.float32),
        compiler_params=pltpu.CompilerParams(
            dimension_semantics=("arbitrary",),
        ),
    )(h, combo, w5, b)


def kernel(input, meshes, W1, b1, W2, b2):
    x = input[0]
    xt = x.T
    idx4 = meshes[0].astype(jnp.int32).T.reshape(4 * E)

    w1t = jnp.transpose(W1, (2, 1, 0))
    w2t = jnp.transpose(W2, (2, 0, 1))

    combo1 = _sc_combine(xt, idx4)
    h1 = _tc_mm1(xt, combo1, w1t, b1[None, :])
    combo2 = _sc_combine(h1, idx4)
    out = _tc_mm2(h1, combo2, w2t, b2[:, None])
    return out[None]

# --- scband reference (transcript-rebuilt; emitter-appended) ---
"""Pipeline reference for scband-conv-block-3195455668378 (READ-ONLY COPY).

The authoritative reference and input builder live on the scoring server;
editing this copy changes nothing except your own understanding.
"""

import jax, jax.numpy as jnp
import numpy as np

B = 1
E = 160000
IN_FEAT = 256
OUT_FEAT = 256
K_LAYERS = 2
KERNEL = 5  # MeshCNN-style (1,5) kernel over [edge, 4 symmetric neighbor features]


def setup_inputs(seed: int = 0) -> dict:
    key = jax.random.key(seed)
    k1, k2, k3, k4, k5, k6 = jax.random.split(key, 6)
    x = jax.random.normal(k1, (B, IN_FEAT, E), dtype=jnp.float32)
    # gemm neighborhood: each mesh edge has 4 neighbor edges (one-ring)
    gemm = jax.random.randint(k2, (B, E, 4), 0, E, dtype=jnp.int64)
    # MeshConv layer 0: in_feat -> out_feat
    s1 = 1.0 / np.sqrt(IN_FEAT * KERNEL)
    W1 = jax.random.uniform(k3, (OUT_FEAT, IN_FEAT, KERNEL), dtype=jnp.float32, minval=-s1, maxval=s1)
    b1 = jax.random.uniform(k4, (OUT_FEAT,), dtype=jnp.float32, minval=-s1, maxval=s1)
    # MeshConv layer 1: out_feat -> out_feat
    s2 = 1.0 / np.sqrt(OUT_FEAT * KERNEL)
    W2 = jax.random.uniform(k5, (OUT_FEAT, OUT_FEAT, KERNEL), dtype=jnp.float32, minval=-s2, maxval=s2)
    b2 = jax.random.uniform(k6, (OUT_FEAT,), dtype=jnp.float32, minval=-s2, maxval=s2)
    return {"input": x, "meshes": gemm, "W1": W1, "b1": b1, "W2": W2, "b2": b2}


def _mesh_conv(x, gemm, W, b):
    # x: [B, C, E]; gemm: [B, E, 4] int neighbor edge ids
    x_t = jnp.transpose(x, (0, 2, 1))  # [B, E, C]
    batch_idx = jnp.arange(x.shape[0])[:, None, None]
    nb = x_t[batch_idx, gemm]  # gather -> [B, E, 4, C]
    f0 = x_t
    x1 = nb[:, :, 0] + nb[:, :, 2]
    x2 = nb[:, :, 1] + nb[:, :, 3]
    x3 = jnp.abs(nb[:, :, 0] - nb[:, :, 2])
    x4 = jnp.abs(nb[:, :, 1] - nb[:, :, 3])
    G = jnp.stack([f0, x1, x2, x3, x4], axis=2)  # [B, E, 5, C]
    # Conv2d with kernel (1,5): out[b,e,o] = sum_{c,k} G[b,e,k,c] * W[o,c,k] + b[o]
    out = jnp.einsum('bekc,ock->beo', G, W) + b
    return jnp.transpose(out, (0, 2, 1))  # [B, out_feat, E]


def reference(input, meshes, W1, b1, W2, b2):
    # ConvBlock: sequential MeshConv layers sharing the same mesh connectivity
    h = _mesh_conv(input, meshes, W1, b1)
    h = _mesh_conv(h, meshes, W2, b2)
    return h

if __name__ == "__main__":
    import jax
    _d = setup_inputs()
    print(jax.jit(kernel)(*tuple(_d.values())))

</pallas_src>

<mosaic_0001>
#map = affine_map<(d0, d1) -> (0, 0)>
#map1 = affine_map<(d0, d1) -> (0)>
#map2 = affine_map<(d0, d1) -> (0, 0, 0)>
module attributes {stable_mosaic.version = 14 : i64} {
  func.func @_sc_combine_body(%arg0: i32, %arg1: i32, %arg2: memref<160000x256xf32, #tpu.memory_space<hbm>>, %arg3: memref<640000xi32, #tpu.memory_space<hbm>>, %arg4: memref<4x160000x256xf32, #tpu.memory_space<hbm>>, %arg5: memref<40xi32, #tpu.memory_space<vmem>>, %arg6: memref<40xi32, #tpu.memory_space<vmem>>, %arg7: memref<40xi32, #tpu.memory_space<vmem>>, %arg8: memref<40xi32, #tpu.memory_space<vmem>>, %arg9: memref<40x256xf32, #tpu.memory_space<vmem>>, %arg10: memref<40x256xf32, #tpu.memory_space<vmem>>, %arg11: memref<40x256xf32, #tpu.memory_space<vmem>>, %arg12: memref<40x256xf32, #tpu.memory_space<vmem>>, %arg13: memref<!tpu.dma_semaphore, #tpu.memory_space<semaphore_mem>>) attributes {dimension_semantics = [#tpu.dimension_semantics<core_parallel>, #tpu.dimension_semantics<subcore_parallel>], iteration_bounds = array<i64: 2, 16>, scalar_prefetch = 0 : i64, scratch_operands = 9 : i64, tpu.core_type = #tpu.core_type<sc_vector_subcore>, window_params = [{transform_indices = #map}, {transform_indices = #map1}, {transform_indices = #map2}]} {
    %mul3A = arith.constant 2 : i32
    %mul3A_0 = arith.muli %arg1, %mul3A : i32
    %add3A = arith.addi %mul3A_0, %arg0 : i32
    %mul3A_1 = arith.constant 5000 : i32
    %mul3A_2 = arith.muli %add3A, %mul3A_1 : i32
    %scan3A = arith.constant 0 : i32
    %scan3A_3 = arith.constant 125 : i32
    %scan3A_4 = arith.addi %scan3A, %scan3A_3 : i32
    %scan3A_5 = arith.constant 1 : i32
    scf.for %scan3A_7 = %scan3A to %scan3A_4 step %scan3A_5  : i32 {
      %mul3A_8 = arith.constant 40 : i32
      %mul3A_9 = arith.muli %scan3A_7, %mul3A_8 : i32
      %add3A_10 = arith.addi %mul3A_2, %mul3A_9 : i32
      %add3A_11 = arith.constant 0 : i32
      %add3A_12 = arith.addi %add3A_11, %add3A_10 : i32
      "tpu.region"() ({
        %run_scoped3A_49 = tpu.sem_alloc : memref<!tpu.dma_semaphore, #tpu.memory_space<semaphore_mem>>
        %dma_start3A_50 = tpu.memref_slice %arg3[%add3A_12] : memref<640000xi32, #tpu.memory_space<hbm>> -> memref<40xi32, #tpu.memory_space<hbm>>
        %dma_start3A_51 = tpu.memref_slice %arg3[%add3A_12] : memref<640000xi32, #tpu.memory_space<hbm>> -> memref<40xi32, #tpu.memory_space<hbm>>
        tpu.enqueue_dma source(%dma_start3A_51 : memref<40xi32, #tpu.memory_space<hbm>>) target(%arg5 : memref<40xi32, #tpu.memory_space<vmem>>) target_semaphore(%run_scoped3A_49 : memref<!tpu.dma_semaphore, #tpu.memory_space<semaphore_mem>>)
        %dma_wait3A_52 = tpu.memref_slice %arg3[%add3A_12] : memref<640000xi32, #tpu.memory_space<hbm>> -> memref<40xi32, #tpu.memory_space<hbm>>
        %dma_wait3A_53 = tpu.memref_slice %arg3[%add3A_12] : memref<640000xi32, #tpu.memory_space<hbm>> -> memref<40xi32, #tpu.memory_space<hbm>>
        tpu.wait_dma2 semaphore(%run_scoped3A_49 : memref<!tpu.dma_semaphore, #tpu.memory_space<semaphore_mem>>) src(%dma_wait3A_53 : memref<40xi32, #tpu.memory_space<hbm>>) dst(%arg5 : memref<40xi32, #tpu.memory_space<vmem>>)
        tpu.yield
      }) : () -> ()
      %add3A_13 = arith.constant 160000 : i32
      %add3A_14 = arith.addi %add3A_13, %add3A_10 : i32
      "tpu.region"() ({
        %run_scoped3A_49 = tpu.sem_alloc : memref<!tpu.dma_semaphore, #tpu.memory_space<semaphore_mem>>
        %dma_start3A_50 = tpu.memref_slice %arg3[%add3A_14] : memref<640000xi32, #tpu.memory_space<hbm>> -> memref<40xi32, #tpu.memory_space<hbm>>
        %dma_start3A_51 = tpu.memref_slice %arg3[%add3A_14] : memref<640000xi32, #tpu.memory_space<hbm>> -> memref<40xi32, #tpu.memory_space<hbm>>
        tpu.enqueue_dma source(%dma_start3A_51 : memref<40xi32, #tpu.memory_space<hbm>>) target(%arg6 : memref<40xi32, #tpu.memory_space<vmem>>) target_semaphore(%run_scoped3A_49 : memref<!tpu.dma_semaphore, #tpu.memory_space<semaphore_mem>>)
        %dma_wait3A_52 = tpu.memref_slice %arg3[%add3A_14] : memref<640000xi32, #tpu.memory_space<hbm>> -> memref<40xi32, #tpu.memory_space<hbm>>
        %dma_wait3A_53 = tpu.memref_slice %arg3[%add3A_14] : memref<640000xi32, #tpu.memory_space<hbm>> -> memref<40xi32, #tpu.memory_space<hbm>>
        tpu.wait_dma2 semaphore(%run_scoped3A_49 : memref<!tpu.dma_semaphore, #tpu.memory_space<semaphore_mem>>) src(%dma_wait3A_53 : memref<40xi32, #tpu.memory_space<hbm>>) dst(%arg6 : memref<40xi32, #tpu.memory_space<vmem>>)
        tpu.yield
      }) : () -> ()
      %add3A_15 = arith.constant 320000 : i32
      %add3A_16 = arith.addi %add3A_15, %add3A_10 : i32
      "tpu.region"() ({
        %run_scoped3A_49 = tpu.sem_alloc : memref<!tpu.dma_semaphore, #tpu.memory_space<semaphore_mem>>
        %dma_start3A_50 = tpu.memref_slice %arg3[%add3A_16] : memref<640000xi32, #tpu.memory_space<hbm>> -> memref<40xi32, #tpu.memory_space<hbm>>
        %dma_start3A_51 = tpu.memref_slice %arg3[%add3A_16] : memref<640000xi32, #tpu.memory_space<hbm>> -> memref<40xi32, #tpu.memory_space<hbm>>
        tpu.enqueue_dma source(%dma_start3A_51 : memref<40xi32, #tpu.memory_space<hbm>>) target(%arg7 : memref<40xi32, #tpu.memory_space<vmem>>) target_semaphore(%run_scoped3A_49 : memref<!tpu.dma_semaphore, #tpu.memory_space<semaphore_mem>>)
        %dma_wait3A_52 = tpu.memref_slice %arg3[%add3A_16] : memref<640000xi32, #tpu.memory_space<hbm>> -> memref<40xi32, #tpu.memory_space<hbm>>
        %dma_wait3A_53 = tpu.memref_slice %arg3[%add3A_16] : memref<640000xi32, #tpu.memory_space<hbm>> -> memref<40xi32, #tpu.memory_space<hbm>>
        tpu.wait_dma2 semaphore(%run_scoped3A_49 : memref<!tpu.dma_semaphore, #tpu.memory_space<semaphore_mem>>) src(%dma_wait3A_53 : memref<40xi32, #tpu.memory_space<hbm>>) dst(%arg7 : memref<40xi32, #tpu.memory_space<vmem>>)
        tpu.yield
      }) : () -> ()
      %add3A_17 = arith.constant 480000 : i32
      %add3A_18 = arith.addi %add3A_17, %add3A_10 : i32
      "tpu.region"() ({
        %run_scoped3A_49 = tpu.sem_alloc : memref<!tpu.dma_semaphore, #tpu.memory_space<semaphore_mem>>
        %dma_start3A_50 = tpu.memref_slice %arg3[%add3A_18] : memref<640000xi32, #tpu.memory_space<hbm>> -> memref<40xi32, #tpu.memory_space<hbm>>
        %dma_start3A_51 = tpu.memref_slice %arg3[%add3A_18] : memref<640000xi32, #tpu.memory_space<hbm>> -> memref<40xi32, #tpu.memory_space<hbm>>
        tpu.enqueue_dma source(%dma_start3A_51 : memref<40xi32, #tpu.memory_space<hbm>>) target(%arg8 : memref<40xi32, #tpu.memory_space<vmem>>) target_semaphore(%run_scoped3A_49 : memref<!tpu.dma_semaphore, #tpu.memory_space<semaphore_mem>>)
        %dma_wait3A_52 = tpu.memref_slice %arg3[%add3A_18] : memref<640000xi32, #tpu.memory_space<hbm>> -> memref<40xi32, #tpu.memory_space<hbm>>
        %dma_wait3A_53 = tpu.memref_slice %arg3[%add3A_18] : memref<640000xi32, #tpu.memory_space<hbm>> -> memref<40xi32, #tpu.memory_space<hbm>>
        tpu.wait_dma2 semaphore(%run_scoped3A_49 : memref<!tpu.dma_semaphore, #tpu.memory_space<semaphore_mem>>) src(%dma_wait3A_53 : memref<40xi32, #tpu.memory_space<hbm>>) dst(%arg8 : memref<40xi32, #tpu.memory_space<vmem>>)
        tpu.yield
      }) : () -> ()
      %dma_start3A = arith.constant 0 : i32
      %dma_start3A_19 = arith.constant 0 : i32
      %dma_start3A_20 = tpu.memref_slice %arg2[%dma_start3A, %dma_start3A_19] : memref<160000x256xf32, #tpu.memory_space<hbm>> -> memref<160000x256xf32, #tpu.memory_space<hbm>>
      tpu.enqueue_indirect_dma source(%dma_start3A_20 : memref<160000x256xf32, #tpu.memory_space<hbm>>) target(%arg9 : memref<40x256xf32, #tpu.memory_space<vmem>>) offsets(%arg5 : memref<40xi32, #tpu.memory_space<vmem>>) semaphore(%arg13 : memref<!tpu.dma_semaphore, #tpu.memory_space<semaphore_mem>>)
      %dma_start3A_21 = arith.constant 0 : i32
      %dma_start3A_22 = arith.constant 0 : i32
      %dma_start3A_23 = tpu.memref_slice %arg2[%dma_start3A_21, %dma_start3A_22] : memref<160000x256xf32, #tpu.memory_space<hbm>> -> memref<160000x256xf32, #tpu.memory_space<hbm>>
      tpu.enqueue_indirect_dma source(%dma_start3A_23 : memref<160000x256xf32, #tpu.memory_space<hbm>>) target(%arg11 : memref<40x256xf32, #tpu.memory_space<vmem>>) offsets(%arg6 : memref<40xi32, #tpu.memory_space<vmem>>) semaphore(%arg13 : memref<!tpu.dma_semaphore, #tpu.memory_space<semaphore_mem>>)
      %dma_start3A_24 = arith.constant 0 : i32
      %dma_start3A_25 = arith.constant 0 : i32
      %dma_start3A_26 = tpu.memref_slice %arg2[%dma_start3A_24, %dma_start3A_25] : memref<160000x256xf32, #tpu.memory_space<hbm>> -> memref<160000x256xf32, #tpu.memory_space<hbm>>
      tpu.enqueue_indirect_dma source(%dma_start3A_26 : memref<160000x256xf32, #tpu.memory_space<hbm>>) target(%arg10 : memref<40x256xf32, #tpu.memory_space<vmem>>) offsets(%arg7 : memref<40xi32, #tpu.memory_space<vmem>>) semaphore(%arg13 : memref<!tpu.dma_semaphore, #tpu.memory_space<semaphore_mem>>)
      %dma_start3A_27 = arith.constant 0 : i32
      %dma_start3A_28 = arith.constant 0 : i32
      %dma_start3A_29 = tpu.memref_slice %arg2[%dma_start3A_27, %dma_start3A_28] : memref<160000x256xf32, #tpu.memory_space<hbm>> -> memref<160000x256xf32, #tpu.memory_space<hbm>>
      tpu.enqueue_indirect_dma source(%dma_start3A_29 : memref<160000x256xf32, #tpu.memory_space<hbm>>) target(%arg12 : memref<40x256xf32, #tpu.memory_space<vmem>>) offsets(%arg8 : memref<40xi32, #tpu.memory_space<vmem>>) semaphore(%arg13 : memref<!tpu.dma_semaphore, #tpu.memory_space<semaphore_mem>>)
      %dma_wait3A = arith.constant 0 : i32
      %dma_wait3A_30 = arith.constant 0 : i32
      %dma_wait3A_31 = tpu.memref_slice %arg2[%dma_wait3A, %dma_wait3A_30] : memref<160000x256xf32, #tpu.memory_space<hbm>> -> memref<160000x256xf32, #tpu.memory_space<hbm>>
      tpu.wait_indirect_dma semaphore(%arg13 : memref<!tpu.dma_semaphore, #tpu.memory_space<semaphore_mem>>) src(%dma_wait3A_31 : memref<160000x256xf32, #tpu.memory_space<hbm>>) dst(%arg9 : memref<40x256xf32, #tpu.memory_space<vmem>>)
      %dma_wait3A_32 = arith.constant 0 : i32
      %dma_wait3A_33 = arith.constant 0 : i32
      %dma_wait3A_34 = tpu.memref_slice %arg2[%dma_wait3A_32, %dma_wait3A_33] : memref<160000x256xf32, #tpu.memory_space<hbm>> -> memref<160000x256xf32, #tpu.memory_space<hbm>>
      tpu.wait_indirect_dma semaphore(%arg13 : memref<!tpu.dma_semaphore, #tpu.memory_space<semaphore_mem>>) src(%dma_wait3A_34 : memref<160000x256xf32, #tpu.memory_space<hbm>>) dst(%arg11 : memref<40x256xf32, #tpu.memory_space<vmem>>)
      %dma_wait3A_35 = arith.constant 0 : i32
      %dma_wait3A_36 = arith.constant 0 : i32
      %dma_wait3A_37 = tpu.memref_slice %arg2[%dma_wait3A_35, %dma_wait3A_36] : memref<160000x256xf32, #tpu.memory_space<hbm>> -> memref<160000x256xf32, #tpu.memory_space<hbm>>
      tpu.wait_indirect_dma semaphore(%arg13 : memref<!tpu.dma_semaphore, #tpu.memory_space<semaphore_mem>>) src(%dma_wait3A_37 : memref<160000x256xf32, #tpu.memory_space<hbm>>) dst(%arg10 : memref<40x256xf32, #tpu.memory_space<vmem>>)
      %dma_wait3A_38 = arith.constant 0 : i32
      %dma_wait3A_39 = arith.constant 0 : i32
      %dma_wait3A_40 = tpu.memref_slice %arg2[%dma_wait3A_38, %dma_wait3A_39] : memref<160000x256xf32, #tpu.memory_space<hbm>> -> memref<160000x256xf32, #tpu.memory_space<hbm>>
      tpu.wait_indirect_dma semaphore(%arg13 : memref<!tpu.dma_semaphore, #tpu.memory_space<semaphore_mem>>) src(%dma_wait3A_40 : memref<160000x256xf32, #tpu.memory_space<hbm>>) dst(%arg12 : memref<40x256xf32, #tpu.memory_space<vmem>>)
      %scan3A_41 = arith.constant 0 : i32
      %scan3A_42 = arith.constant 40 : i32
      %scan3A_43 = arith.addi %scan3A_41, %scan3A_42 : i32
      %scan3A_44 = arith.constant 1 : i32
      scf.for %scan3A_49 = %scan3A_41 to %scan3A_43 step %scan3A_44  : i32 {
        %get3A = arith.index_cast %scan3A_49 : i32 to index
        %get3A_50 = arith.constant 0 : index
        %get3A_51 = tpu.vector_load %arg9[%get3A, %get3A_50] {strides = array<i32>} : memref<40x256xf32, #tpu.memory_space<vmem>>, vector<1x16xf32>,
        %get3A_52 = vector.shape_cast %get3A_51 : vector<1x16xf32> to vector<16xf32>
        %get3A_53 = arith.index_cast %scan3A_49 : i32 to index
        %get3A_54 = arith.constant 0 : index
        %get3A_55 = tpu.vector_load %arg10[%get3A_53, %get3A_54] {strides = array<i32>} : memref<40x256xf32, #tpu.memory_space<vmem>>, vector<1x16xf32>,
        %get3A_56 = vector.shape_cast %get3A_55 : vector<1x16xf32> to vector<16xf32>
        %add3A_57 = arith.addf %get3A_52, %get3A_56 : vector<16xf32>
        %swap3A = arith.index_cast %scan3A_49 : i32 to index
        %swap3A_58 = arith.constant 0 : index
        %swap3A_59 = tpu.vector_load %arg9[%swap3A, %swap3A_58] {strides = array<i32>} : memref<40x256xf32, #tpu.memory_space<vmem>>, vector<1x16xf32>,
        %swap3A_60 = vector.shape_cast %swap3A_59 : vector<1x16xf32> to vector<16xf32>
        %swap3A_61 = vector.shape_cast %add3A_57 : vector<16xf32> to vector<1x16xf32>
        tpu.vector_store %arg9[%swap3A, %swap3A_58], %swap3A_61 {strides = array<i32>} : memref<40x256xf32, #tpu.memory_space<vmem>>, vector<1x16xf32>,
        %sub3A = arith.subf %get3A_52, %get3A_56 : vector<16xf32>
        %abs3A = math.absf %sub3A : vector<16xf32>
        %swap3A_62 = arith.index_cast %scan3A_49 : i32 to index
        %swap3A_63 = arith.constant 0 : index
        %swap3A_64 = tpu.vector_load %arg10[%swap3A_62, %swap3A_63] {strides = array<i32>} : memref<40x256xf32, #tpu.memory_space<vmem>>, vector<1x16xf32>,
        %swap3A_65 = vector.shape_cast %swap3A_64 : vector<1x16xf32> to vector<16xf32>
        %swap3A_66 = vector.shape_cast %abs3A : vector<16xf32> to vector<1x16xf32>
        tpu.vector_store %arg10[%swap3A_62, %swap3A_63], %swap3A_66 {strides = array<i32>} : memref<40x256xf32, #tpu.memory_space<vmem>>, vector<1x16xf32>,
        %get3A_67 = arith.index_cast %scan3A_49 : i32 to index
        %get3A_68 = arith.constant 0 : index
        %get3A_69 = tpu.vector_load %arg11[%get3A_67, %get3A_68] {strides = array<i32>} : memref<40x256xf32, #tpu.memory_space<vmem>>, vector<1x16xf32>,
        %get3A_70 = vector.shape_cast %get3A_69 : vector<1x16xf32> to vector<16xf32>
        %get3A_71 = arith.index_cast %scan3A_49 : i32 to index
        %get3A_72 = arith.constant 0 : index
        %get3A_73 = tpu.vector_load %arg12[%get3A_71, %get3A_72] {strides = array<i32>} : memref<40x256xf32, #tpu.memory_space<vmem>>, vector<1x16xf32>,
        %get3A_74 = vector.shape_cast %get3A_73 : vector<1x16xf32> to vector<16xf32>
        %add3A_75 = arith.addf %get3A_70, %get3A_74 : vector<16xf32>
        %swap3A_76 = arith.index_cast %scan3A_49 : i32 to index
        %swap3A_77 = arith.constant 0 : index
        %swap3A_78 = tpu.vector_load %arg11[%swap3A_76, %swap3A_77] {strides = array<i32>} : memref<40x256xf32, #tpu.memory_space<vmem>>, vector<1x16xf32>,
        %swap3A_79 = vector.shape_cast %swap3A_78 : vector<1x16xf32> to vector<16xf32>
        %swap3A_80 = vector.shape_cast %add3A_75 : vector<16xf32> to vector<1x16xf32>
        tpu.vector_store %arg11[%swap3A_76, %swap3A_77], %swap3A_80 {strides = array<i32>} : memref<40x256xf32, #tpu.memory_space<vmem>>, vector<1x16xf32>,
        %sub3A_81 = arith.subf %get3A_70, %get3A_74 : vector<16xf32>
        %abs3A_82 = math.absf %sub3A_81 : vector<16xf32>
        %swap3A_83 = arith.index_cast %scan3A_49 : i32 to index
        %swap3A_84 = arith.constant 0 : index
        %swap3A_85 = tpu.vector_load %arg12[%swap3A_83, %swap3A_84] {strides = array<i32>} : memref<40x256xf32, #tpu.memory_space<vmem>>, vector<1x16xf32>,
        %swap3A_86 = vector.shape_cast %swap3A_85 : vector<1x16xf32> to vector<16xf32>
        %swap3A_87 = vector.shape_cast %abs3A_82 : vector<16xf32> to vector<1x16xf32>
        tpu.vector_store %arg12[%swap3A_83, %swap3A_84], %swap3A_87 {strides = array<i32>} : memref<40x256xf32, #tpu.memory_space<vmem>>, vector<1x16xf32>,
        %get3A_88 = arith.index_cast %scan3A_49 : i32 to index
        %get3A_89 = arith.constant 16 : index
        %get3A_90 = tpu.vector_load %arg9[%get3A_88, %get3A_89] {strides = array<i32>} : memref<40x256xf32, #tpu.memory_space<vmem>>, vector<1x16xf32>,
        %get3A_91 = vector.shape_cast %get3A_90 : vector<1x16xf32> to vector<16xf32>
        %get3A_92 = arith.index_cast %scan3A_49 : i32 to index
        %get3A_93 = arith.constant 16 : index
        %get3A_94 = tpu.vector_load %arg10[%get3A_92, %get3A_93] {strides = array<i32>} : memref<40x256xf32, #tpu.memory_space<vmem>>, vector<1x16xf32>,
        %get3A_95 = vector.shape_cast %get3A_94 : vector<1x16xf32> to vector<16xf32>
        %add3A_96 = arith.addf %get3A_91, %get3A_95 : vector<16xf32>
        %swap3A_97 = arith.index_cast %scan3A_49 : i32 to index
        %swap3A_98 = arith.constant 16 : index
        %swap3A_99 = tpu.vector_load %arg9[%swap3A_97, %swap3A_98] {strides = array<i32>} : memref<40x256xf32, #tpu.memory_space<vmem>>, vector<1x16xf32>,
        %swap3A_100 = vector.shape_cast %swap3A_99 : vector<1x16xf32> to vector<16xf32>
        %swap3A_101 = vector.shape_cast %add3A_96 : vector<16xf32> to vector<1x16xf32>
        tpu.vector_store %arg9[%swap3A_97, %swap3A_98], %swap3A_101 {strides = array<i32>} : memref<40x256xf32, #tpu.memory_space<vmem>>, vector<1x16xf32>,
        %sub3A_102 = arith.subf %get3A_91, %get3A_95 : vector<16xf32>
        %abs3A_103 = math.absf %sub3A_102 : vector<16xf32>
        %swap3A_104 = arith.index_cast %scan3A_49 : i32 to index
        %swap3A_105 = arith.constant 16 : index
        %swap3A_106 = tpu.vector_load %arg10[%swap3A_104, %swap3A_105] {strides = array<i32>} : memref<40x256xf32, #tpu.memory_space<vmem>>, vector<1x16xf32>,
        %swap3A_107 = vector.shape_cast %swap3A_106 : vector<1x16xf32> to vector<16xf32>
        %swap3A_108 = vector.shape_cast %abs3A_103 : vector<16xf32> to vector<1x16xf32>
        tpu.vector_store %arg10[%swap3A_104, %swap3A_105], %swap3A_108 {strides = array<i32>} : memref<40x256xf32, #tpu.memory_space<vmem>>, vector<1x16xf32>,
        %get3A_109 = arith.index_cast %scan3A_49 : i32 to index
        %get3A_110 = arith.constant 16 : index
        %get3A_111 = tpu.vector_load %arg11[%get3A_109, %get3A_110] {strides = array<i32>} : memref<40x256xf32, #tpu.memory_space<vmem>>, vector<1x16xf32>,
        %get3A_112 = vector.shape_cast %get3A_111 : vector<1x16xf32> to vector<16xf32>
        %get3A_113 = arith.index_cast %scan3A_49 : i32 to index
        %get3A_114 = arith.constant 16 : index
        %get3A_115 = tpu.vector_load %arg12[%get3A_113, %get3A_114] {strides = array<i32>} : memref<40x256xf32, #tpu.memory_space<vmem>>, vector<1x16xf32>,
        %get3A_116 = vector.shape_cast %get3A_115 : vector<1x16xf32> to vector<16xf32>
        %add3A_117 = arith.addf %get3A_112, %get3A_116 : vector<16xf32>
        %swap3A_118 = arith.index_cast %scan3A_49 : i32 to index
        %swap3A_119 = arith.constant 16 : index
        %swap3A_120 = tpu.vector_load %arg11[%swap3A_118, %swap3A_119] {strides = array<i32>} : memref<40x256xf32, #tpu.memory_space<vmem>>, vector<1x16xf32>,
        %swap3A_121 = vector.shape_cast %swap3A_120 : vector<1x16xf32> to vector<16xf32>
        %swap3A_122 = vector.shape_cast %add3A_117 : vector<16xf32> to vector<1x16xf32>
        tpu.vector_store %arg11[%swap3A_118, %swap3A_119], %swap3A_122 {strides = array<i32>} : memref<40x256xf32, #tpu.memory_space<vmem>>, vector<1x16xf32>,
        %sub3A_123 = arith.subf %get3A_112, %get3A_116 : vector<16xf32>
        %abs3A_124 = math.absf %sub3A_123 : vector<16xf32>
        %swap3A_125 = arith.index_cast %scan3A_49 : i32 to index
        %swap3A_126 = arith.constant 16 : index
        %swap3A_127 = tpu.vector_load %arg12[%swap3A_125, %swap3A_126] {strides = array<i32>} : memref<40x256xf32, #tpu.memory_space<vmem>>, vector<1x16xf32>,
        %swap3A_128 = vector.shape_cast %swap3A_127 : vector<1x16xf32> to vector<16xf32>
        %swap3A_129 = vector.shape_cast %abs3A_124 : vector<16xf32> to vector<1x16xf32>
        tpu.vector_store %arg12[%swap3A_125, %swap3A_126], %swap3A_129 {strides = array<i32>} : memref<40x256xf32, #tpu.memory_space<vmem>>, vector<1x16xf32>,
        %get3A_130 = arith.index_cast %scan3A_49 : i32 to index
        %get3A_131 = arith.constant 32 : index
        %get3A_132 = tpu.vector_load %arg9[%get3A_130, %get3A_131] {strides = array<i32>} : memref<40x256xf32, #tpu.memory_space<vmem>>, vector<1x16xf32>,
        %get3A_133 = vector.shape_cast %get3A_132 : vector<1x16xf32> to vector<16xf32>
        %get3A_134 = arith.index_cast %scan3A_49 : i32 to index
        %get3A_135 = arith.constant 32 : index
        %get3A_136 = tpu.vector_load %arg10[%get3A_134, %get3A_135] {strides = array<i32>} : memref<40x256xf32, #tpu.memory_space<vmem>>, vector<1x16xf32>,
        %get3A_137 = vector.shape_cast %get3A_136 : vector<1x16xf32> to vector<16xf32>
        %add3A_138 = arith.addf %get3A_133, %get3A_137 : vector<16xf32>
        %swap3A_139 = arith.index_cast %scan3A_49 : i32 to index
        %swap3A_140 = arith.constant 32 : index
        %swap3A_141 = tpu.vector_load %arg9[%swap3A_139, %swap3A_140] {strides = array<i32>} : memref<40x256xf32, #tpu.memory_space<vmem>>, vector<1x16xf32>,
        %swap3A_142 = vector.shape_cast %swap3A_141 : vector<1x16xf32> to vector<16xf32>
        %swap3A_143 = vector.shape_cast %add3A_138 : vector<16xf32> to vector<1x16xf32>
        tpu.vector_store %arg9[%swap3A_139, %swap3A_140], %swap3A_143 {strides = array<i32>} : memref<40x256xf32, #tpu.memory_space<vmem>>, vector<1x16xf32>,
        %sub3A_144 = arith.subf %get3A_133, %get3A_137 : vector<16xf32>
        %abs3A_145 = math.absf %sub3A_144 : vector<16xf32>
        %swap3A_146 = arith.index_cast %scan3A_49 : i32 to index
        %swap3A_147 = arith.constant 32 : index
        %swap3A_148 = tpu.vector_load %arg10[%swap3A_146, %swap3A_147] {strides = array<i32>} : memref<40x256xf32, #tpu.memory_space<vmem>>, vector<1x16xf32>,
        %swap3A_149 = vector.shape_cast %swap3A_148 : vector<1x16xf32> to vector<16xf32>
        %swap3A_150 = vector.shape_cast %abs3A_145 : vector<16xf32> to vector<1x16xf32>
        tpu.vector_store %arg10[%swap3A_146, %swap3A_147], %swap3A_150 {strides = array<i32>} : memref<40x256xf32, #tpu.memory_space<vmem>>, vector<1x16xf32>,
        %get3A_151 = arith.index_cast %scan3A_49 : i32 to index
        %get3A_152 = arith.constant 32 : index
        %get3A_153 = tpu.vector_load %arg11[%get3A_151, %get3A_152] {strides = array<i32>} : memref<40x256xf32, #tpu.memory_space<vmem>>, vector<1x16xf32>,
        %get3A_154 = vector.shape_cast %get3A_153 : vector<1x16xf32> to vector<16xf32>
        %get3A_155 = arith.index_cast %scan3A_49 : i32 to index
        %get3A_156 = arith.constant 32 : index
        %get3A_157 = tpu.vector_load %arg12[%get3A_155, %get3A_156] {strides = array<i32>} : memref<40x256xf32, #tpu.memory_space<vmem>>, vector<1x16xf32>,
        %get3A_158 = vector.shape_cast %get3A_157 : vector<1x16xf32> to vector<16xf32>
        %add3A_159 = arith.addf %get3A_154, %get3A_158 : vector<16xf32>
        %swap3A_160 = arith.index_cast %scan3A_49 : i32 to index
        %swap3A_161 = arith.constant 32 : index
        %swap3A_162 = tpu.vector_load %arg11[%swap3A_160, %swap3A_161] {strides = array<i32>} : memref<40x256xf32, #tpu.memory_space<vmem>>, vector<1x16xf32>,
        %swap3A_163 = vector.shape_cast %swap3A_162 : vector<1x16xf32> to vector<16xf32>
        %swap3A_164 = vector.shape_cast %add3A_159 : vector<16xf32> to vector<1x16xf32>
        tpu.vector_store %arg11[%swap3A_160, %swap3A_161], %swap3A_164 {strides = array<i32>} : memref<40x256xf32, #tpu.memory_space<vmem>>, vector<1x16xf32>,
        %sub3A_165 = arith.subf %get3A_154, %get3A_158 : vector<16xf32>
        %abs3A_166 = math.absf %sub3A_165 : vector<16xf32>
        %swap3A_167 = arith.index_cast %scan3A_49 : i32 to index
        %swap3A_168 = arith.constant 32 : index
        %swap3A_169 = tpu.vector_load %arg12[%swap3A_167, %swap3A_168] {strides = array<i32>} : memref<40x256xf32, #tpu.memory_space<vmem>>, vector<1x16xf32>,
        %swap3A_170 = vector.shape_cast %swap3A_169 : vector<1x16xf32> to vector<16xf32>
        %swap3A_171 = vector.shape_cast %abs3A_166 : vector<16xf32> to vector<1x16xf32>
        tpu.vector_store %arg12[%swap3A_167, %swap3A_168], %swap3A_171 {strides = array<i32>} : memref<40x256xf32, #tpu.memory_space<vmem>>, vector<1x16xf32>,
        %get3A_172 = arith.index_cast %scan3A_49 : i32 to index
        %get3A_173 = arith.constant 48 : index
        %get3A_174 = tpu.vector_load %arg9[%get3A_172, %get3A_173] {strides = array<i32>} : memref<40x256xf32, #tpu.memory_space<vmem>>, vector<1x16xf32>,
        %get3A_175 = vector.shape_cast %get3A_174 : vector<1x16xf32> to vector<16xf32>
        %get3A_176 = arith.index_cast %scan3A_49 : i32 to index
        %get3A_177 = arith.constant 48 : index
        %get3A_178 = tpu.vector_load %arg10[%get3A_176, %get3A_177] {strides = array<i32>} : memref<40x256xf32, #tpu.memory_space<vmem>>, vector<1x16xf32>,
        %get3A_179 = vector.shape_cast %get3A_178 : vector<1x16xf32> to vector<16xf32>
        %add3A_180 = arith.addf %get3A_175, %get3A_179 : vector<16xf32>
        %swap3A_181 = arith.index_cast %scan3A_49 : i32 to index
        %swap3A_182 = arith.constant 48 : index
        %swap3A_183 = tpu.vector_load %arg9[%swap3A_181, %swap3A_182] {strides = array<i32>} : memref<40x256xf32, #tpu.memory_space<vmem>>, vector<1x16xf32>,
        %swap3A_184 = vector.shape_cast %swap3A_183 : vector<1x16xf32> to vector<16xf32>
        %swap3A_185 = vector.shape_cast %add3A_180 : vector<16xf32> to vector<1x16xf32>
        tpu.vector_store %arg9[%swap3A_181, %swap3A_182], %swap3A_185 {strides = array<i32>} : memref<40x256xf32, #tpu.memory_space<vmem>>, vector<1x16xf32>,
        %sub3A_186 = arith.subf %get3A_175, %get3A_179 : vector<16xf32>
        %abs3A_187 = math.absf %sub3A_186 : vector<16xf32>
        %swap3A_188 = arith.index_cast %scan3A_49 : i32 to index
        %swap3A_189 = arith.constant 48 : index
        %swap3A_190 = tpu.vector_load %arg10[%swap3A_188, %swap3A_189] {strides = array<i32>} : memref<40x256xf32, #tpu.memory_space<vmem>>, vector<1x16xf32>,
        %swap3A_191 = vector.shape_cast %swap3A_190 : vector<1x16xf32> to vector<16xf32>
        %swap3A_192 = vector.shape_cast %abs3A_187 : vector<16xf32> to vector<1x16xf32>
        tpu.vector_store %arg10[%swap3A_188, %swap3A_189], %swap3A_192 {strides = array<i32>} : memref<40x256xf32, #tpu.memory_space<vmem>>, vector<1x16xf32>,
        %get3A_193 = arith.index_cast %scan3A_49 : i32 to index
        %get3A_194 = arith.constant 48 : index
        %get3A_195 = tpu.vector_load %arg11[%get3A_193, %get3A_194] {strides = array<i32>} : memref<40x256xf32, #tpu.memory_space<vmem>>, vector<1x16xf32>,
        %get3A_196 = vector.shape_cast %get3A_195 : vector<1x16xf32> to vector<16xf32>
        %get3A_197 = arith.index_cast %scan3A_49 : i32 to index
        %get3A_198 = arith.constant 48 : index
        %get3A_199 = tpu.vector_load %arg12[%get3A_197, %get3A_198] {strides = array<i32>} : memref<40x256xf32, #tpu.memory_space<vmem>>, vector<1x16xf32>,
        %get3A_200 = vector.shape_cast %get3A_199 : vector<1x16xf32> to vector<16xf32>
        %add3A_201 = arith.addf %get3A_196, %get3A_200 : vector<16xf32>
        %swap3A_202 = arith.index_cast %scan3A_49 : i32 to index
        %swap3A_203 = arith.constant 48 : index
        %swap3A_204 = tpu.vector_load %arg11[%swap3A_202, %swap3A_203] {strides = array<i32>} : memref<40x256xf32, #tpu.memory_space<vmem>>, vector<1x16xf32>,
        %swap3A_205 = vector.shape_cast %swap3A_204 : vector<1x16xf32> to vector<16xf32>
        %swap3A_206 = vector.shape_cast %add3A_201 : vector<16xf32> to vector<1x16xf32>
        tpu.vector_store %arg11[%swap3A_202, %swap3A_203], %swap3A_206 {strides = array<i32>} : memref<40x256xf32, #tpu.memory_space<vmem>>, vector<1x16xf32>,
        %sub3A_207 = arith.subf %get3A_196, %get3A_200 : vector<16xf32>
        %abs3A_208 = math.absf %sub3A_207 : vector<16xf32>
        %swap3A_209 = arith.index_cast %scan3A_49 : i32 to index
        %swap3A_210 = arith.constant 48 : index
        %swap3A_211 = tpu.vector_load %arg12[%swap3A_209, %swap3A_210] {strides = array<i32>} : memref<40x256xf32, #tpu.memory_space<vmem>>, vector<1x16xf32>,
        %swap3A_212 = vector.shape_cast %swap3A_211 : vector<1x16xf32> to vector<16xf32>
        %swap3A_213 = vector.shape_cast %abs3A_208 : vector<16xf32> to vector<1x16xf32>
        tpu.vector_store %arg12[%swap3A_209, %swap3A_210], %swap3A_213 {strides = array<i32>} : memref<40x256xf32, #tpu.memory_space<vmem>>, vector<1x16xf32>,
        %get3A_214 = arith.index_cast %scan3A_49 : i32 to index
        %get3A_215 = arith.constant 64 : index
        %get3A_216 = tpu.vector_load %arg9[%get3A_214, %get3A_215] {strides = array<i32>} : memref<40x256xf32, #tpu.memory_space<vmem>>, vector<1x16xf32>,
        %get3A_217 = vector.shape_cast %get3A_216 : vector<1x16xf32> to vector<16xf32>
        %get3A_218 = arith.index_cast %scan3A_49 : i32 to index
        %get3A_219 = arith.constant 64 : index
        %get3A_220 = tpu.vector_load %arg10[%get3A_218, %get3A_219] {strides = array<i32>} : memref<40x256xf32, #tpu.memory_space<vmem>>, vector<1x16xf32>,
        %get3A_221 = vector.shape_cast %get3A_220 : vector<1x16xf32> to vector<16xf32>
        %add3A_222 = arith.addf %get3A_217, %get3A_221 : vector<16xf32>
        %swap3A_223 = arith.index_cast %scan3A_49 : i32 to index
        %swap3A_224 = arith.constant 64 : index
        %swap3A_225 = tpu.vector_load %arg9[%swap3A_223, %swap3A_224] {strides = array<i32>} : memref<40x256xf32, #tpu.memory_space<vmem>>, vector<1x16xf32>,
        %swap3A_226 = vector.shape_cast %swap3A_225 : vector<1x16xf32> to vector<16xf32>
        %swap3A_227 = vector.shape_cast %add3A_222 : vector<16xf32> to vector<1x16xf32>
        tpu.vector_store %arg9[%swap3A_223, %swap3A_224], %swap3A_227 {strides = array<i32>} : memref<40x256xf32, #tpu.memory_space<vmem>>, vector<1x16xf32>,
        %sub3A_228 = arith.subf %get3A_217, %get3A_221 : vector<16xf32>
        %abs3A_229 = math.absf %sub3A_228 : vector<16xf32>
        %swap3A_230 = arith.index_cast %scan3A_49 : i32 to index
        %swap3A_231 = arith.constant 64 : index
        %swap3A_232 = tpu.vector_load %arg10[%swap3A_230, %swap3A_231] {strides = array<i32>} : memref<40x256xf32, #tpu.memory_space<vmem>>, vector<1x16xf32>,
        %swap3A_233 = vector.shape_cast %swap3A_232 : vector<1x16xf32> to vector<16xf32>
        %swap3A_234 = vector.shape_cast %abs3A_229 : vector<16xf32> to vector<1x16xf32>
        tpu.vector_store %arg10[%swap3A_230, %swap3A_231], %swap3A_234 {strides = array<i32>} : memref<40x256xf32, #tpu.memory_space<vmem>>, vector<1x16xf32>,
        %get3A_235 = arith.index_cast %scan3A_49 : i32 to index
        %get3A_236 = arith.constant 64 : index
        %get3A_237 = tpu.vector_load %arg11[%get3A_235, %get3A_236] {strides = array<i32>} : memref<40x256xf32, #tpu.memory_space<vmem>>, vector<1x16xf32>,
        %get3A_238 = vector.shape_cast %get3A_237 : vector<1x16xf32> to vector<16xf32>
        %get3A_239 = arith.index_cast %scan3A_49 : i32 to index
        %get3A_240 = arith.constant 64 : index
        %get3A_241 = tpu.vector_load %arg12[%get3A_239, %get3A_240] {strides = array<i32>} : memref<40x256xf32, #tpu.memory_space<vmem>>, vector<1x16xf32>,
        %get3A_242 = vector.shape_cast %get3A_241 : vector<1x16xf32> to vector<16xf32>
        %add3A_243 = arith.addf %get3A_238, %get3A_242 : vector<16xf32>
        %swap3A_244 = arith.index_cast %scan3A_49 : i32 to index
        %swap3A_245 = arith.constant 64 : index
        %swap3A_246 = tpu.vector_load %arg11[%swap3A_244, %swap3A_245] {strides = array<i32>} : memref<40x256xf32, #tpu.memory_space<vmem>>, vector<1x16xf32>,
        %swap3A_247 = vector.shape_cast %swap3A_246 : vector<1x16xf32> to vector<16xf32>
        %swap3A_248 = vector.shape_cast %add3A_243 : vector<16xf32> to vector<1x16xf32>
        tpu.vector_store %arg11[%swap3A_244, %swap3A_245], %swap3A_248 {strides = array<i32>} : memref<40x256xf32, #tpu.memory_space<vmem>>, vector<1x16xf32>,
        %sub3A_249 = arith.subf %get3A_238, %get3A_242 : vector<16xf32>
        %abs3A_250 = math.absf %sub3A_249 : vector<16xf32>
        %swap3A_251 = arith.index_cast %scan3A_49 : i32 to index
        %swap3A_252 = arith.constant 64 : index
        %swap3A_253 = tpu.vector_load %arg12[%swap3A_251, %swap3A_252] {strides = array<i32>} : memref<40x256xf32, #tpu.memory_space<vmem>>, vector<1x16xf32>,
        %swap3A_254 = vector.shape_cast %swap3A_253 : vector<1x16xf32> to vector<16xf32>
        %swap3A_255 = vector.shape_cast %abs3A_250 : vector<16xf32> to vector<1x16xf32>
        tpu.vector_store %arg12[%swap3A_251, %swap3A_252], %swap3A_255 {strides = array<i32>} : memref<40x256xf32, #tpu.memory_space<vmem>>, vector<1x16xf32>,
        %get3A_256 = arith.index_cast %scan3A_49 : i32 to index
        %get3A_257 = arith.constant 80 : index
        %get3A_258 = tpu.vector_load %arg9[%get3A_256, %get3A_257] {strides = array<i32>} : memref<40x256xf32, #tpu.memory_space<vmem>>, vector<1x16xf32>,
        %get3A_259 = vector.shape_cast %get3A_258 : vector<1x16xf32> to vector<16xf32>
        %get3A_260 = arith.index_cast %scan3A_49 : i32 to index
        %get3A_261 = arith.constant 80 : index
        %get3A_262 = tpu.vector_load %arg10[%get3A_260, %get3A_261] {strides = array<i32>} : memref<40x256xf32, #tpu.memory_space<vmem>>, vector<1x16xf32>,
        %get3A_263 = vector.shape_cast %get3A_262 : vector<1x16xf32> to vector<16xf32>
        %add3A_264 = arith.addf %get3A_259, %get3A_263 : vector<16xf32>
        %swap3A_265 = arith.index_cast %scan3A_49 : i32 to index
        %swap3A_266 = arith.constant 80 : index
        %swap3A_267 = tpu.vector_load %arg9[%swap3A_265, %swap3A_266] {strides = array<i32>} : memref<40x256xf32, #tpu.memory_space<vmem>>, vector<1x16xf32>,
        %swap3A_268 = vector.shape_cast %swap3A_267 : vector<1x16xf32> to vector<16xf32>
        %swap3A_269 = vector.shape_cast %add3A_264 : vector<16xf32> to vector<1x16xf32>
        tpu.vector_store %arg9[%swap3A_265, %swap3A_266], %swap3A_269 {strides = array<i32>} : memref<40x256xf32, #tpu.memory_space<vmem>>, vector<1x16xf32>,
        %sub3A_270 = arith.subf %get3A_259, %get3A_263 : vector<16xf32>
        %abs3A_271 = math.absf %sub3A_270 : vector<16xf32>
        %swap3A_272 = arith.index_cast %scan3A_49 : i32 to index
        %swap3A_273 = arith.constant 80 : index
        %swap3A_274 = tpu.vector_load %arg10[%swap3A_272, %swap3A_273] {strides = array<i32>} : memref<40x256xf32, #tpu.memory_space<vmem>>, vector<1x16xf32>,
        %swap3A_275 = vector.shape_cast %swap3A_274 : vector<1x16xf32> to vector<16xf32>
        %swap3A_276 = vector.shape_cast %abs3A_271 : vector<16xf32> to vector<1x16xf32>
        tpu.vector_store %arg10[%swap3A_272, %swap3A_273], %swap3A_276 {strides = array<i32>} : memref<40x256xf32, #tpu.memory_space<vmem>>, vector<1x16xf32>,
        %get3A_277 = arith.index_cast %scan3A_49 : i32 to index
        %get3A_278 = arith.constant 80 : index
        %get3A_279 = tpu.vector_load %arg11[%get3A_277, %get3A_278] {strides = array<i32>} : memref<40x256xf32, #tpu.memory_space<vmem>>, vector<1x16xf32>,
        %get3A_280 = vector.shape_cast %get3A_279 : vector<1x16xf32> to vector<16xf32>
        %get3A_281 = arith.index_cast %scan3A_49 : i32 to index
        %get3A_282 = arith.constant 80 : index
        %get3A_283 = tpu.vector_load %arg12[%get3A_281, %get3A_282] {strides = array<i32>} : memref<40x256xf32, #tpu.memory_space<vmem>>, vector<1x16xf32>,
        %get3A_284 = vector.shape_cast %get3A_283 : vector<1x16xf32> to vector<16xf32>
        %add3A_285 = arith.addf %get3A_280, %get3A_284 : vector<16xf32>
        %swap3A_286 = arith.index_cast %scan3A_49 : i32 to index
        %swap3A_287 = arith.constant 80 : index
        %swap3A_288 = tpu.vector_load %arg11[%swap3A_286, %swap3A_287] {strides = array<i32>} : memref<40x256xf32, #tpu.memory_space<vmem>>, vector<1x16xf32>,
        %swap3A_289 = vector.shape_cast %swap3A_288 : vector<1x16xf32> to vector<16xf32>
        %swap3A_290 = vector.shape_cast %add3A_285 : vector<16xf32> to vector<1x16xf32>
        tpu.vector_store %arg11[%swap3A_286, %swap3A_287], %swap3A_290 {strides = array<i32>} : memref<40x256xf32, #tpu.memory_space<vmem>>, vector<1x16xf32>,
        %sub3A_291 = arith.subf %get3A_280, %get3A_284 : vector<16xf32>
        %abs3A_292 = math.absf %sub3A_291 : vector<16xf32>
        %swap3A_293 = arith.index_cast %scan3A_49 : i32 to index
        %swap3A_294 = arith.constant 80 : index
        %swap3A_295 = tpu.vector_load %arg12[%swap3A_293, %swap3A_294] {strides = array<i32>} : memref<40x256xf32, #tpu.memory_space<vmem>>, vector<1x16xf32>,
        %swap3A_296 = vector.shape_cast %swap3A_295 : vector<1x16xf32> to vector<16xf32>
        %swap3A_297 = vector.shape_cast %abs3A_292 : vector<16xf32> to vector<1x16xf32>
        tpu.vector_store %arg12[%swap3A_293, %swap3A_294], %swap3A_297 {strides = array<i32>} : memref<40x256xf32, #tpu.memory_space<vmem>>, vector<1x16xf32>,
        %get3A_298 = arith.index_cast %scan3A_49 : i32 to index
        %get3A_299 = arith.constant 96 : index
        %get3A_300 = tpu.vector_load %arg9[%get3A_298, %get3A_299] {strides = array<i32>} : memref<40x256xf32, #tpu.memory_space<vmem>>, vector<1x16xf32>,
        %get3A_301 = vector.shape_cast %get3A_300 : vector<1x16xf32> to vector<16xf32>
        %get3A_302 = arith.index_cast %scan3A_49 : i32 to index
        %get3A_303 = arith.constant 96 : index
        %get3A_304 = tpu.vector_load %arg10[%get3A_302, %get3A_303] {strides = array<i32>} : memref<40x256xf32, #tpu.memory_space<vmem>>, vector<1x16xf32>,
        %get3A_305 = vector.shape_cast %get3A_304 : vector<1x16xf32> to vector<16xf32>
        %add3A_306 = arith.addf %get3A_301, %get3A_305 : vector<16xf32>
        %swap3A_307 = arith.index_cast %scan3A_49 : i32 to index
        %swap3A_308 = arith.constant 96 : index
        %swap3A_309 = tpu.vector_load %arg9[%swap3A_307, %swap3A_308] {strides = array<i32>} : memref<40x256xf32, #tpu.memory_space<vmem>>, vector<1x16xf32>,
        %swap3A_310 = vector.shape_cast %swap3A_309 : vector<1x16xf32> to vector<16xf32>
        %swap3A_311 = vector.shape_cast %add3A_306 : vector<16xf32> to vector<1x16xf32>
        tpu.vector_store %arg9[%swap3A_307, %swap3A_308], %swap3A_311 {strides = array<i32>} : memref<40x256xf32, #tpu.memory_space<vmem>>, vector<1x16xf32>,
        %sub3A_312 = arith.subf %get3A_301, %get3A_305 : vector<16xf32>
        %abs3A_313 = math.absf %sub3A_312 : vector<16xf32>
        %swap3A_314 = arith.index_cast %scan3A_49 : i32 to index
        %swap3A_315 = arith.constant 96 : index
        %swap3A_316 = tpu.vector_load %arg10[%swap3A_314, %swap3A_315] {strides = array<i32>} : memref<40x256xf32, #tpu.memory_space<vmem>>, vector<1x16xf32>,
        %swap3A_317 = vector.shape_cast %swap3A_316 : vector<1x16xf32> to vector<16xf32>
        %swap3A_318 = vector.shape_cast %abs3A_313 : vector<16xf32> to vector<1x16xf32>
        tpu.vector_store %arg10[%swap3A_314, %swap3A_315], %swap3A_318 {strides = array<i32>} : memref<40x256xf32, #tpu.memory_space<vmem>>, vector<1x16xf32>,
        %get3A_319 = arith.index_cast %scan3A_49 : i32 to index
        %get3A_320 = arith.constant 96 : index
        %get3A_321 = tpu.vector_load %arg11[%get3A_319, %get3A_320] {strides = array<i32>} : memref<40x256xf32, #tpu.memory_space<vmem>>, vector<1x16xf32>,
        %get3A_322 = vector.shape_cast %get3A_321 : vector<1x16xf32> to vector<16xf32>
        %get3A_323 = arith.index_cast %scan3A_49 : i32 to index
        %get3A_324 = arith.constant 96 : index
        %get3A_325 = tpu.vector_load %arg12[%get3A_323, %get3A_324] {strides = array<i32>} : memref<40x256xf32, #tpu.memory_space<vmem>>, vector<1x16xf32>,
        %get3A_326 = vector.shape_cast %get3A_325 : vector<1x16xf32> to vector<16xf32>
        %add3A_327 = arith.addf %get3A_322, %get3A_326 : vector<16xf32>
        %swap3A_328 = arith.index_cast %scan3A_49 : i32 to index
        %swap3A_329 = arith.constant 96 : index
        %swap3A_330 = tpu.vector_load %arg11[%swap3A_328, %swap3A_329] {strides = array<i32>} : memref<40x256xf32, #tpu.memory_space<vmem>>, vector<1x16xf32>,
        %swap3A_331 = vector.shape_cast %swap3A_330 : vector<1x16xf32> to vector<16xf32>
        %swap3A_332 = vector.shape_cast %add3A_327 : vector<16xf32> to vector<1x16xf32>
        tpu.vector_store %arg11[%swap3A_328, %swap3A_329], %swap3A_332 {strides = array<i32>} : memref<40x256xf32, #tpu.memory_space<vmem>>, vector<1x16xf32>,
        %sub3A_333 = arith.subf %get3A_322, %get3A_326 : vector<16xf32>
        %abs3A_334 = math.absf %sub3A_333 : vector<16xf32>
        %swap3A_335 = arith.index_cast %scan3A_49 : i32 to index
        %swap3A_336 = arith.constant 96 : index
        %swap3A_337 = tpu.vector_load %arg12[%swap3A_335, %swap3A_336] {strides = array<i32>} : memref<40x256xf32, #tpu.memory_space<vmem>>, vector<1x16xf32>,
        %swap3A_338 = vector.shape_cast %swap3A_337 : vector<1x16xf32> to vector<16xf32>
        %swap3A_339 = vector.shape_cast %abs3A_334 : vector<16xf32> to vector<1x16xf32>
        tpu.vector_store %arg12[%swap3A_335, %swap3A_336], %swap3A_339 {strides = array<i32>} : memref<40x256xf32, #tpu.memory_space<vmem>>, vector<1x16xf32>,
        %get3A_340 = arith.index_cast %scan3A_49 : i32 to index
        %get3A_341 = arith.constant 112 : index
        %get3A_342 = tpu.vector_load %arg9[%get3A_340, %get3A_341] {strides = array<i32>} : memref<40x256xf32, #tpu.memory_space<vmem>>, vector<1x16xf32>,
        %get3A_343 = vector.shape_cast %get3A_342 : vector<1x16xf32> to vector<16xf32>
        %get3A_344 = arith.index_cast %scan3A_49 : i32 to index
        %get3A_345 = arith.constant 112 : index
        %get3A_346 = tpu.vector_load %arg10[%get3A_344, %get3A_345] {strides = array<i32>} : memref<40x256xf32, #tpu.memory_space<vmem>>, vector<1x16xf32>,
        %get3A_347 = vector.shape_cast %get3A_346 : vector<1x16xf32> to vector<16xf32>
        %add3A_348 = arith.addf %get3A_343, %get3A_347 : vector<16xf32>
        %swap3A_349 = arith.index_cast %scan3A_49 : i32 to index
        %swap3A_350 = arith.constant 112 : index
        %swap3A_351 = tpu.vector_load %arg9[%swap3A_349, %swap3A_350] {strides = array<i32>} : memref<40x256xf32, #tpu.memory_space<vmem>>, vector<1x16xf32>,
        %swap3A_352 = vector.shape_cast %swap3A_351 : vector<1x16xf32> to vector<16xf32>
        %swap3A_353 = vector.shape_cast %add3A_348 : vector<16xf32> to vector<1x16xf32>
        tpu.vector_store %arg9[%swap3A_349, %swap3A_350], %swap3A_353 {strides = array<i32>} : memref<40x256xf32, #tpu.memory_space<vmem>>, vector<1x16xf32>,
        %sub3A_354 = arith.subf %get3A_343, %get3A_347 : vector<16xf32>
        %abs3A_355 = math.absf %sub3A_354 : vector<16xf32>
        %swap3A_356 = arith.index_cast %scan3A_49 : i32 to index
        %swap3A_357 = arith.constant 112 : index
        %swap3A_358 = tpu.vector_load %arg10[%swap3A_356, %swap3A_357] {strides = array<i32>} : memref<40x256xf32, #tpu.memory_space<vmem>>, vector<1x16xf32>,
        %swap3A_359 = vector.shape_cast %swap3A_358 : vector<1x16xf32> to vector<16xf32>
        %swap3A_360 = vector.shape_cast %abs3A_355 : vector<16xf32> to vector<1x16xf32>
        tpu.vector_store %arg10[%swap3A_356, %swap3A_357], %swap3A_360 {strides = array<i32>} : memref<40x256xf32, #tpu.memory_space<vmem>>, vector<1x16xf32>,
        %get3A_361 = arith.index_cast %scan3A_49 : i32 to index
        %get3A_362 = arith.constant 112 : index
        %get3A_363 = tpu.vector_load %arg11[%get3A_361, %get3A_362] {strides = array<i32>} : memref<40x256xf32, #tpu.memory_space<vmem>>, vector<1x16xf32>,
        %get3A_364 = vector.shape_cast %get3A_363 : vector<1x16xf32> to vector<16xf32>
        %get3A_365 = arith.index_cast %scan3A_49 : i32 to index
        %get3A_366 = arith.constant 112 : index
        %get3A_367 = tpu.vector_load %arg12[%get3A_365, %get3A_366] {strides = array<i32>} : memref<40x256xf32, #tpu.memory_space<vmem>>, vector<1x16xf32>,
        %get3A_368 = vector.shape_cast %get3A_367 : vector<1x16xf32> to vector<16xf32>
        %add3A_369 = arith.addf %get3A_364, %get3A_368 : vector<16xf32>
        %swap3A_370 = arith.index_cast %scan3A_49 : i32 to index
        %swap3A_371 = arith.constant 112 : index
        %swap3A_372 = tpu.vector_load %arg11[%swap3A_370, %swap3A_371] {strides = array<i32>} : memref<40x256xf32, #tpu.memory_space<vmem>>, vector<1x16xf32>,
        %swap3A_373 = vector.shape_cast %swap3A_372 : vector<1x16xf32> to vector<16xf32>
        %swap3A_374 = vector.shape_cast %add3A_369 : vector<16xf32> to vector<1x16xf32>
        tpu.vector_store %arg11[%swap3A_370, %swap3A_371], %swap3A_374 {strides = array<i32>} : memref<40x256xf32, #tpu.memory_space<vmem>>, vector<1x16xf32>,
        %sub3A_375 = arith.subf %get3A_364, %get3A_368 : vector<16xf32>
        %abs3A_376 = math.absf %sub3A_375 : vector<16xf32>
        %swap3A_377 = arith.index_cast %scan3A_49 : i32 to index
        %swap3A_378 = arith.constant 112 : index
        %swap3A_379 = tpu.vector_load %arg12[%swap3A_377, %swap3A_378] {strides = array<i32>} : memref<40x256xf32, #tpu.memory_space<vmem>>, vector<1x16xf32>,
        %swap3A_380 = vector.shape_cast %swap3A_379 : vector<1x16xf32> to vector<16xf32>
        %swap3A_381 = vector.shape_cast %abs3A_376 : vector<16xf32> to vector<1x16xf32>
        tpu.vector_store %arg12[%swap3A_377, %swap3A_378], %swap3A_381 {strides = array<i32>} : memref<40x256xf32, #tpu.memory_space<vmem>>, vector<1x16xf32>,
        %get3A_382 = arith.index_cast %scan3A_49 : i32 to index
        %get3A_383 = arith.constant 128 : index
        %get3A_384 = tpu.vector_load %arg9[%get3A_382, %get3A_383] {strides = array<i32>} : memref<40x256xf32, #tpu.memory_space<vmem>>, vector<1x16xf32>,
        %get3A_385 = vector.shape_cast %get3A_384 : vector<1x16xf32> to vector<16xf32>
        %get3A_386 = arith.index_cast %scan3A_49 : i32 to index
        %get3A_387 = arith.constant 128 : index
        %get3A_388 = tpu.vector_load %arg10[%get3A_386, %get3A_387] {strides = array<i32>} : memref<40x256xf32, #tpu.memory_space<vmem>>, vector<1x16xf32>,
        %get3A_389 = vector.shape_cast %get3A_388 : vector<1x16xf32> to vector<16xf32>
        %add3A_390 = arith.addf %get3A_385, %get3A_389 : vector<16xf32>
        %swap3A_391 = arith.index_cast %scan3A_49 : i32 to index
        %swap3A_392 = arith.constant 128 : index
        %swap3A_393 = tpu.vector_load %arg9[%swap3A_391, %swap3A_392] {strides = array<i32>} : memref<40x256xf32, #tpu.memory_space<vmem>>, vector<1x16xf32>,
        %swap3A_394 = vector.shape_cast %swap3A_393 : vector<1x16xf32> to vector<16xf32>
        %swap3A_395 = vector.shape_cast %add3A_390 : vector<16xf32> to vector<1x16xf32>
        tpu.vector_store %arg9[%swap3A_391, %swap3A_392], %swap3A_395 {strides = array<i32>} : memref<40x256xf32, #tpu.memory_space<vmem>>, vector<1x16xf32>,
        %sub3A_396 = arith.subf %get3A_385, %get3A_389 : vector<16xf32>
        %abs3A_397 = math.absf %sub3A_396 : vector<16xf32>
        %swap3A_398 = arith.index_cast %scan3A_49 : i32 to index
        %swap3A_399 = arith.constant 128 : index
        %swap3A_400 = tpu.vector_load %arg10[%swap3A_398, %swap3A_399] {strides = array<i32>} : memref<40x256xf32, #tpu.memory_space<vmem>>, vector<1x16xf32>,
        %swap3A_401 = vector.shape_cast %swap3A_400 : vector<1x16xf32> to vector<16xf32>
        %swap3A_402 = vector.shape_cast %abs3A_397 : vector<16xf32> to vector<1x16xf32>
        tpu.vector_store %arg10[%swap3A_398, %swap3A_399], %swap3A_402 {strides = array<i32>} : memref<40x256xf32, #tpu.memory_space<vmem>>, vector<1x16xf32>,
        %get3A_403 = arith.index_cast %scan3A_49 : i32 to index
        %get3A_404 = arith.constant 128 : index
        %get3A_405 = tpu.vector_load %arg11[%get3A_403, %get3A_404] {strides = array<i32>} : memref<40x256xf32, #tpu.memory_space<vmem>>, vector<1x16xf32>,
        %get3A_406 = vector.shape_cast %get3A_405 : vector<1x16xf32> to vector<16xf32>
        %get3A_407 = arith.index_cast %scan3A_49 : i32 to index
        %get3A_408 = arith.constant 128 : index
        %get3A_409 = tpu.vector_load %arg12[%get3A_407, %get3A_408] {strides = array<i32>} : memref<40x256xf32, #tpu.memory_space<vmem>>, vector<1x16xf32>,
        %get3A_410 = vector.shape_cast %get3A_409 : vector<1x16xf32> to vector<16xf32>
        %add3A_411 = arith.addf %get3A_406, %get3A_410 : vector<16xf32>
        %swap3A_412 = arith.index_cast %scan3A_49 : i32 to index
        %swap3A_413 = arith.constant 128 : index
        %swap3A_414 = tpu.vector_load %arg11[%swap3A_412, %swap3A_413] {strides = array<i32>} : memref<40x256xf32, #tpu.memory_space<vmem>>, vector<1x16xf32>,
        %swap3A_415 = vector.shape_cast %swap3A_414 : vector<1x16xf32> to vector<16xf32>
        %swap3A_416 = vector.shape_cast %add3A_411 : vector<16xf32> to vector<1x16xf32>
        tpu.vector_store %arg11[%swap3A_412, %swap3A_413], %swap3A_416 {strides = array<i32>} : memref<40x256xf32, #tpu.memory_space<vmem>>, vector<1x16xf32>,
        %sub3A_417 = arith.subf %get3A_406, %get3A_410 : vector<16xf32>
        %abs3A_418 = math.absf %sub3A_417 : vector<16xf32>
        %swap3A_419 = arith.index_cast %scan3A_49 : i32 to index
        %swap3A_420 = arith.constant 128 : index
        %swap3A_421 = tpu.vector_load %arg12[%swap3A_419, %swap3A_420] {strides = array<i32>} : memref<40x256xf32, #tpu.memory_space<vmem>>, vector<1x16xf32>,
        %swap3A_422 = vector.shape_cast %swap3A_421 : vector<1x16xf32> to vector<16xf32>
        %swap3A_423 = vector.shape_cast %abs3A_418 : vector<16xf32> to vector<1x16xf32>
        tpu.vector_store %arg12[%swap3A_419, %swap3A_420], %swap3A_423 {strides = array<i32>} : memref<40x256xf32, #tpu.memory_space<vmem>>, vector<1x16xf32>,
        %get3A_424 = arith.index_cast %scan3A_49 : i32 to index
        %get3A_425 = arith.constant 144 : index
        %get3A_426 = tpu.vector_load %arg9[%get3A_424, %get3A_425] {strides = array<i32>} : memref<40x256xf32, #tpu.memory_space<vmem>>, vector<1x16xf32>,
        %get3A_427 = vector.shape_cast %get3A_426 : vector<1x16xf32> to vector<16xf32>
        %get3A_428 = arith.index_cast %scan3A_49 : i32 to index
        %get3A_429 = arith.constant 144 : index
        %get3A_430 = tpu.vector_load %arg10[%get3A_428, %get3A_429] {strides = array<i32>} : memref<40x256xf32, #tpu.memory_space<vmem>>, vector<1x16xf32>,
        %get3A_431 = vector.shape_cast %get3A_430 : vector<1x16xf32> to vector<16xf32>
        %add3A_432 = arith.addf %get3A_427, %get3A_431 : vector<16xf32>
        %swap3A_433 = arith.index_cast %scan3A_49 : i32 to index
        %swap3A_434 = arith.constant 144 : index
        %swap3A_435 = tpu.vector_load %arg9[%swap3A_433, %swap3A_434] {strides = array<i32>} : memref<40x256xf32, #tpu.memory_space<vmem>>, vector<1x16xf32>,
        %swap3A_436 = vector.shape_cast %swap3A_435 : vector<1x16xf32> to vector<16xf32>
        %swap3A_437 = vector.shape_cast %add3A_432 : vector<16xf32> to vector<1x16xf32>
        tpu.vector_store %arg9[%swap3A_433, %swap3A_434], %swap3A_437 {strides = array<i32>} : memref<40x256xf32, #tpu.memory_space<vmem>>, vector<1x16xf32>,
        %sub3A_438 = arith.subf %get3A_427, %get3A_431 : vector<16xf32>
        %abs3A_439 = math.absf %sub3A_438 : vector<16xf32>
        %swap3A_440 = arith.index_cast %scan3A_49 : i32 to index
        %swap3A_441 = arith.constant 144 : index
        %swap3A_442 = tpu.vector_load %arg10[%swap3A_440, %swap3A_441] {strides = array<i32>} : memref<40x256xf32, #tpu.memory_space<vmem>>, vector<1x16xf32>,
        %swap3A_443 = vector.shape_cast %swap3A_442 : vector<1x16xf32> to vector<16xf32>
        %swap3A_444 = vector.shape_cast %abs3A_439 : vector<16xf32> to vector<1x16xf32>
        tpu.vector_store %arg10[%swap3A_440, %swap3A_441], %swap3A_444 {strides = array<i32>} : memref<40x256xf32, #tpu.memory_space<vmem>>, vector<1x16xf32>,
        %get3A_445 = arith.index_cast %scan3A_49 : i32 to index
        %get3A_446 = arith.constant 144 : index
        %get3A_447 = tpu.vector_load %arg11[%get3A_445, %get3A_446] {strides = array<i32>} : memref<40x256xf32, #tpu.memory_space<vmem>>, vector<1x16xf32>,
        %get3A_448 = vector.shape_cast %get3A_447 : vector<1x16xf32> to vector<16xf32>
        %get3A_449 = arith.index_cast %scan3A_49 : i32 to index
        %get3A_450 = arith.constant 144 : index
        %get3A_451 = tpu.vector_load %arg12[%get3A_449, %get3A_450] {strides = array<i32>} : memref<40x256xf32, #tpu.memory_space<vmem>>, vector<1x16xf32>,
        %get3A_452 = vector.shape_cast %get3A_451 : vector<1x16xf32> to vector<16xf32>
        %add3A_453 = arith.addf %get3A_448, %get3A_452 : vector<16xf32>
        %swap3A_454 = arith.index_cast %scan3A_49 : i32 to index
        %swap3A_455 = arith.constant 144 : index
        %swap3A_456 = tpu.vector_load %arg11[%swap3A_454, %swap3A_455] {strides = array<i32>} : memref<40x256xf32, #tpu.memory_space<vmem>>, vector<1x16xf32>,
        %swap3A_457 = vector.shape_cast %swap3A_456 : vector<1x16xf32> to vector<16xf32>
        %swap3A_458 = vector.shape_cast %add3A_453 : vector<16xf32> to vector<1x16xf32>
        tpu.vector_store %arg11[%swap3A_454, %swap3A_455], %swap3A_458 {strides = array<i32>} : memref<40x256xf32, #tpu.memory_space<vmem>>, vector<1x16xf32>,
        %sub3A_459 = arith.subf %get3A_448, %get3A_452 : vector<16xf32>
        %abs3A_460 = math.absf %sub3A_459 : vector<16xf32>
        %swap3A_461 = arith.index_cast %scan3A_49 : i32 to index
        %swap3A_462 = arith.constant 144 : index
        %swap3A_463 = tpu.vector_load %arg12[%swap3A_461, %swap3A_462] {strides = array<i32>} : memref<40x256xf32, #tpu.memory_space<vmem>>, vector<1x16xf32>,
        %swap3A_464 = vector.shape_cast %swap3A_463 : vector<1x16xf32> to vector<16xf32>
        %swap3A_465 = vector.shape_cast %abs3A_460 : vector<16xf32> to vector<1x16xf32>
        tpu.vector_store %arg12[%swap3A_461, %swap3A_462], %swap3A_465 {strides = array<i32>} : memref<40x256xf32, #tpu.memory_space<vmem>>, vector<1x16xf32>,
        %get3A_466 = arith.index_cast %scan3A_49 : i32 to index
        %get3A_467 = arith.constant 160 : index
        %get3A_468 = tpu.vector_load %arg9[%get3A_466, %get3A_467] {strides = array<i32>} : memref<40x256xf32, #tpu.memory_space<vmem>>, vector<1x16xf32>,
        %get3A_469 = vector.shape_cast %get3A_468 : vector<1x16xf32> to vector<16xf32>
        %get3A_470 = arith.index_cast %scan3A_49 : i32 to index
        %get3A_471 = arith.constant 160 : index
        %get3A_472 = tpu.vector_load %arg10[%get3A_470, %get3A_471] {strides = array<i32>} : memref<40x256xf32, #tpu.memory_space<vmem>>, vector<1x16xf32>,
        %get3A_473 = vector.shape_cast %get3A_472 : vector<1x16xf32> to vector<16xf32>
        %add3A_474 = arith.addf %get3A_469, %get3A_473 : vector<16xf32>
        %swap3A_475 = arith.index_cast %scan3A_49 : i32 to index
        %swap3A_476 = arith.constant 160 : index
        %swap3A_477 = tpu.vector_load %arg9[%swap3A_475, %swap3A_476] {strides = array<i32>} : memref<40x256xf32, #tpu.memory_space<vmem>>, vector<1x16xf32>,
        %swap3A_478 = vector.shape_cast %swap3A_477 : vector<1x16xf32> to vector<16xf32>
        %swap3A_479 = vector.shape_cast %add3A_474 : vector<16xf32> to vector<1x16xf32>
        tpu.vector_store %arg9[%swap3A_475, %swap3A_476], %swap3A_479 {strides = array<i32>} : memref<40x256xf32, #tpu.memory_space<vmem>>, vector<1x16xf32>,
        %sub3A_480 = arith.subf %get3A_469, %get3A_473 : vector<16xf32>
        %abs3A_481 = math.absf %sub3A_480 : vector<16xf32>
        %swap3A_482 = arith.index_cast %scan3A_49 : i32 to index
        %swap3A_483 = arith.constant 160 : index
        %swap3A_484 = tpu.vector_load %arg10[%swap3A_482, %swap3A_483] {strides = array<i32>} : memref<40x256xf32, #tpu.memory_space<vmem>>, vector<1x16xf32>,
        %swap3A_485 = vector.shape_cast %swap3A_484 : vector<1x16xf32> to vector<16xf32>
        %swap3A_486 = vector.shape_cast %abs3A_481 : vector<16xf32> to vector<1x16xf32>
        tpu.vector_store %arg10[%swap3A_482, %swap3A_483], %swap3A_486 {strides = array<i32>} : memref<40x256xf32, #tpu.memory_space<vmem>>, vector<1x16xf32>,
        %get3A_487 = arith.index_cast %scan3A_49 : i32 to index
        %get3A_488 = arith.constant 160 : index
        %get3A_489 = tpu.vector_load %arg11[%get3A_487, %get3A_488] {strides = array<i32>} : memref<40x256xf32, #tpu.memory_space<vmem>>, vector<1x16xf32>,
        %get3A_490 = vector.shape_cast %get3A_489 : vector<1x16xf32> to vector<16xf32>
        %get3A_491 = arith.index_cast %scan3A_49 : i32 to index
        %get3A_492 = arith.constant 160 : index
        %get3A_493 = tpu.vector_load %arg12[%get3A_491, %get3A_492] {strides = array<i32>} : memref<40x256xf32, #tpu.memory_space<vmem>>, vector<1x16xf32>,
        %get3A_494 = vector.shape_cast %get3A_493 : vector<1x16xf32> to vector<16xf32>
        %add3A_495 = arith.addf %get3A_490, %get3A_494 : vector<16xf32>
        %swap3A_496 = arith.index_cast %scan3A_49 : i32 to index
        %swap3A_497 = arith.constant 160 : index
        %swap3A_498 = tpu.vector_load %arg11[%swap3A_496, %swap3A_497] {strides = array<i32>} : memref<40x256xf32, #tpu.memory_space<vmem>>, vector<1x16xf32>,
        %swap3A_499 = vector.shape_cast %swap3A_498 : vector<1x16xf32> to vector<16xf32>
        %swap3A_500 = vector.shape_cast %add3A_495 : vector<16xf32> to vector<1x16xf32>
        tpu.vector_store %arg11[%swap3A_496, %swap3A_497], %swap3A_500 {strides = array<i32>} : memref<40x256xf32, #tpu.memory_space<vmem>>, vector<1x16xf32>,
        %sub3A_501 = arith.subf %get3A_490, %get3A_494 : vector<16xf32>
        %abs3A_502 = math.absf %sub3A_501 : vector<16xf32>
        %swap3A_503 = arith.index_cast %scan3A_49 : i32 to index
        %swap3A_504 = arith.constant 160 : index
        %swap3A_505 = tpu.vector_load %arg12[%swap3A_503, %swap3A_504] {strides = array<i32>} : memref<40x256xf32, #tpu.memory_space<vmem>>, vector<1x16xf32>,
        %swap3A_506 = vector.shape_cast %swap3A_505 : vector<1x16xf32> to vector<16xf32>
        %swap3A_507 = vector.shape_cast %abs3A_502 : vector<16xf32> to vector<1x16xf32>
        tpu.vector_store %arg12[%swap3A_503, %swap3A_504], %swap3A_507 {strides = array<i32>} : memref<40x256xf32, #tpu.memory_space<vmem>>, vector<1x16xf32>,
        %get3A_508 = arith.index_cast %scan3A_49 : i32 to index
        %get3A_509 = arith.constant 176 : index
        %get3A_510 = tpu.vector_load %arg9[%get3A_508, %get3A_509] {strides = array<i32>} : memref<40x256xf32, #tpu.memory_space<vmem>>, vector<1x16xf32>,
        %get3A_511 = vector.shape_cast %get3A_510 : vector<1x16xf32> to vector<16xf32>
        %get3A_512 = arith.index_cast %scan3A_49 : i32 to index
        %get3A_513 = arith.constant 176 : index
        %get3A_514 = tpu.vector_load %arg10[%get3A_512, %get3A_513] {strides = array<i32>} : memref<40x256xf32, #tpu.memory_space<vmem>>, vector<1x16xf32>,
        %get3A_515 = vector.shape_cast %get3A_514 : vector<1x16xf32> to vector<16xf32>
        %add3A_516 = arith.addf %get3A_511, %get3A_515 : vector<16xf32>
        %swap3A_517 = arith.index_cast %scan3A_49 : i32 to index
        %swap3A_518 = arith.constant 176 : index
        %swap3A_519 = tpu.vector_load %arg9[%swap3A_517, %swap3A_518] {strides = array<i32>} : memref<40x256xf32, #tpu.memory_space<vmem>>, vector<1x16xf32>,
        %swap3A_520 = vector.shape_cast %swap3A_519 : vector<1x16xf32> to vector<16xf32>
        %swap3A_521 = vector.shape_cast %add3A_516 : vector<16xf32> to vector<1x16xf32>
        tpu.vector_store %arg9[%swap3A_517, %swap3A_518], %swap3A_521 {strides = array<i32>} : memref<40x256xf32, #tpu.memory_space<vmem>>, vector<1x16xf32>,
        %sub3A_522 = arith.subf %get3A_511, %get3A_515 : vector<16xf32>
        %abs3A_523 = math.absf %sub3A_522 : vector<16xf32>
        %swap3A_524 = arith.index_cast %scan3A_49 : i32 to index
        %swap3A_525 = arith.constant 176 : index
        %swap3A_526 = tpu.vector_load %arg10[%swap3A_524, %swap3A_525] {strides = array<i32>} : memref<40x256xf32, #tpu.memory_space<vmem>>, vector<1x16xf32>,
        %swap3A_527 = vector.shape_cast %swap3A_526 : vector<1x16xf32> to vector<16xf32>
        %swap3A_528 = vector.shape_cast %abs3A_523 : vector<16xf32> to vector<1x16xf32>
        tpu.vector_store %arg10[%swap3A_524, %swap3A_525], %swap3A_528 {strides = array<i32>} : memref<40x256xf32, #tpu.memory_space<vmem>>, vector<1x16xf32>,
        %get3A_529 = arith.index_cast %scan3A_49 : i32 to index
        %get3A_530 = arith.constant 176 : index
        %get3A_531 = tpu.vector_load %arg11[%get3A_529, %get3A_530] {strides = array<i32>} : memref<40x256xf32, #tpu.memory_space<vmem>>, vector<1x16xf32>,
        %get3A_532 = vector.shape_cast %get3A_531 : vector<1x16xf32> to vector<16xf32>
        %get3A_533 = arith.index_cast %scan3A_49 : i32 to index
        %get3A_534 = arith.constant 176 : index
        %get3A_535 = tpu.vector_load %arg12[%get3A_533, %get3A_534] {strides = array<i32>} : memref<40x256xf32, #tpu.memory_space<vmem>>, vector<1x16xf32>,
        %get3A_536 = vector.shape_cast %get3A_535 : vector<1x16xf32> to vector<16xf32>
        %add3A_537 = arith.addf %get3A_532, %get3A_536 : vector<16xf32>
        %swap3A_538 = arith.index_cast %scan3A_49 : i32 to index
        %swap3A_539 = arith.constant 176 : index
        %swap3A_540 = tpu.vector_load %arg11[%swap3A_538, %swap3A_539] {strides = array<i32>} : memref<40x256xf32, #tpu.memory_space<vmem>>, vector<1x16xf32>,
        %swap3A_541 = vector.shape_cast %swap3A_540 : vector<1x16xf32> to vector<16xf32>
        %swap3A_542 = vector.shape_cast %add3A_537 : vector<16xf32> to vector<1x16xf32>
        tpu.vector_store %arg11[%swap3A_538, %swap3A_539], %swap3A_542 {strides = array<i32>} : memref<40x256xf32, #tpu.memory_space<vmem>>, vector<1x16xf32>,
        %sub3A_543 = arith.subf %get3A_532, %get3A_536 : vector<16xf32>
        %abs3A_544 = math.absf %sub3A_543 : vector<16xf32>
        %swap3A_545 = arith.index_cast %scan3A_49 : i32 to index
        %swap3A_546 = arith.constant 176 : index
        %swap3A_547 = tpu.vector_load %arg12[%swap3A_545, %swap3A_546] {strides = array<i32>} : memref<40x256xf32, #tpu.memory_space<vmem>>, vector<1x16xf32>,
        %swap3A_548 = vector.shape_cast %swap3A_547 : vector<1x16xf32> to vector<16xf32>
        %swap3A_549 = vector.shape_cast %abs3A_544 : vector<16xf32> to vector<1x16xf32>
        tpu.vector_store %arg12[%swap3A_545, %swap3A_546], %swap3A_549 {strides = array<i32>} : memref<40x256xf32, #tpu.memory_space<vmem>>, vector<1x16xf32>,
        %get3A_550 = arith.index_cast %scan3A_49 : i32 to index
        %get3A_551 = arith.constant 192 : index
        %get3A_552 = tpu.vector_load %arg9[%get3A_550, %get3A_551] {strides = array<i32>} : memref<40x256xf32, #tpu.memory_space<vmem>>, vector<1x16xf32>,
        %get3A_553 = vector.shape_cast %get3A_552 : vector<1x16xf32> to vector<16xf32>
        %get3A_554 = arith.index_cast %scan3A_49 : i32 to index
        %get3A_555 = arith.constant 192 : index
        %get3A_556 = tpu.vector_load %arg10[%get3A_554, %get3A_555] {strides = array<i32>} : memref<40x256xf32, #tpu.memory_space<vmem>>, vector<1x16xf32>,
        %get3A_557 = vector.shape_cast %get3A_556 : vector<1x16xf32> to vector<16xf32>
        %add3A_558 = arith.addf %get3A_553, %get3A_557 : vector<16xf32>
        %swap3A_559 = arith.index_cast %scan3A_49 : i32 to index
        %swap3A_560 = arith.constant 192 : index
        %swap3A_561 = tpu.vector_load %arg9[%swap3A_559, %swap3A_560] {strides = array<i32>} : memref<40x256xf32, #tpu.memory_space<vmem>>, vector<1x16xf32>,
        %swap3A_562 = vector.shape_cast %swap3A_561 : vector<1x16xf32> to vector<16xf32>
        %swap3A_563 = vector.shape_cast %add3A_558 : vector<16xf32> to vector<1x16xf32>
        tpu.vector_store %arg9[%swap3A_559, %swap3A_560], %swap3A_563 {strides = array<i32>} : memref<40x256xf32, #tpu.memory_space<vmem>>, vector<1x16xf32>,
        %sub3A_564 = arith.subf %get3A_553, %get3A_557 : vector<16xf32>
        %abs3A_565 = math.absf %sub3A_564 : vector<16xf32>
        %swap3A_566 = arith.index_cast %scan3A_49 : i32 to index
        %swap3A_567 = arith.constant 192 : index
        %swap3A_568 = tpu.vector_load %arg10[%swap3A_566, %swap3A_567] {strides = array<i32>} : memref<40x256xf32, #tpu.memory_space<vmem>>, vector<1x16xf32>,
        %swap3A_569 = vector.shape_cast %swap3A_568 : vector<1x16xf32> to vector<16xf32>
        %swap3A_570 = vector.shape_cast %abs3A_565 : vector<16xf32> to vector<1x16xf32>
        tpu.vector_store %arg10[%swap3A_566, %swap3A_567], %swap3A_570 {strides = array<i32>} : memref<40x256xf32, #tpu.memory_space<vmem>>, vector<1x16xf32>,
        %get3A_571 = arith.index_cast %scan3A_49 : i32 to index
        %get3A_572 = arith.constant 192 : index
        %get3A_573 = tpu.vector_load %arg11[%get3A_571, %get3A_572] {strides = array<i32>} : memref<40x256xf32, #tpu.memory_space<vmem>>, vector<1x16xf32>,
        %get3A_574 = vector.shape_cast %get3A_573 : vector<1x16xf32> to vector<16xf32>
        %get3A_575 = arith.index_cast %scan3A_49 : i32 to index
        %get3A_576 = arith.constant 192 : index
        %get3A_577 = tpu.vector_load %arg12[%get3A_575, %get3A_576] {strides = array<i32>} : memref<40x256xf32, #tpu.memory_space<vmem>>, vector<1x16xf32>,
        %get3A_578 = vector.shape_cast %get3A_577 : vector<1x16xf32> to vector<16xf32>
        %add3A_579 = arith.addf %get3A_574, %get3A_578 : vector<16xf32>
        %swap3A_580 = arith.index_cast %scan3A_49 : i32 to index
        %swap3A_581 = arith.constant 192 : index
        %swap3A_582 = tpu.vector_load %arg11[%swap3A_580, %swap3A_581] {strides = array<i32>} : memref<40x256xf32, #tpu.memory_space<vmem>>, vector<1x16xf32>,
        %swap3A_583 = vector.shape_cast %swap3A_582 : vector<1x16xf32> to vector<16xf32>
        %swap3A_584 = vector.shape_cast %add3A_579 : vector<16xf32> to vector<1x16xf32>
        tpu.vector_store %arg11[%swap3A_580, %swap3A_581], %swap3A_584 {strides = array<i32>} : memref<40x256xf32, #tpu.memory_space<vmem>>, vector<1x16xf32>,
        %sub3A_585 = arith.subf %get3A_574, %get3A_578 : vector<16xf32>
        %abs3A_586 = math.absf %sub3A_585 : vector<16xf32>
        %swap3A_587 = arith.index_cast %scan3A_49 : i32 to index
        %swap3A_588 = arith.constant 192 : index
        %swap3A_589 = tpu.vector_load %arg12[%swap3A_587, %swap3A_588] {strides = array<i32>} : memref<40x256xf32, #tpu.memory_space<vmem>>, vector<1x16xf32>,
        %swap3A_590 = vector.shape_cast %swap3A_589 : vector<1x16xf32> to vector<16xf32>
        %swap3A_591 = vector.shape_cast %abs3A_586 : vector<16xf32> to vector<1x16xf32>
        tpu.vector_store %arg12[%swap3A_587, %swap3A_588], %swap3A_591 {strides = array<i32>} : memref<40x256xf32, #tpu.memory_space<vmem>>, vector<1x16xf32>,
        %get3A_592 = arith.index_cast %scan3A_49 : i32 to index
        %get3A_593 = arith.constant 208 : index
        %get3A_594 = tpu.vector_load %arg9[%get3A_592, %get3A_593] {strides = array<i32>} : memref<40x256xf32, #tpu.memory_space<vmem>>, vector<1x16xf32>,
        %get3A_595 = vector.shape_cast %get3A_594 : vector<1x16xf32> to vector<16xf32>
        %get3A_596 = arith.index_cast %scan3A_49 : i32 to index
        %get3A_597 = arith.constant 208 : index
        %get3A_598 = tpu.vector_load %arg10[%get3A_596, %get3A_597] {strides = array<i32>} : memref<40x256xf32, #tpu.memory_space<vmem>>, vector<1x16xf32>,
        %get3A_599 = vector.shape_cast %get3A_598 : vector<1x16xf32> to vector<16xf32>
        %add3A_600 = arith.addf %get3A_595, %get3A_599 : vector<16xf32>
        %swap3A_601 = arith.index_cast %scan3A_49 : i32 to index
        %swap3A_602 = arith.constant 208 : index
        %swap3A_603 = tpu.vector_load %arg9[%swap3A_601, %swap3A_602] {strides = array<i32>} : memref<40x256xf32, #tpu.memory_space<vmem>>, vector<1x16xf32>,
        %swap3A_604 = vector.shape_cast %swap3A_603 : vector<1x16xf32> to vector<16xf32>
        %swap3A_605 = vector.shape_cast %add3A_600 : vector<16xf32> to vector<1x16xf32>
        tpu.vector_store %arg9[%swap3A_601, %swap3A_602], %swap3A_605 {strides = array<i32>} : memref<40x256xf32, #tpu.memory_space<vmem>>, vector<1x16xf32>,
        %sub3A_606 = arith.subf %get3A_595, %get3A_599 : vector<16xf32>
        %abs3A_607 = math.absf %sub3A_606 : vector<16xf32>
        %swap3A_608 = arith.index_cast %scan3A_49 : i32 to index
        %swap3A_609 = arith.constant 208 : index
        %swap3A_610 = tpu.vector_load %arg10[%swap3A_608, %swap3A_609] {strides = array<i32>} : memref<40x256xf32, #tpu.memory_space<vmem>>, vector<1x16xf32>,
        %swap3A_611 = vector.shape_cast %swap3A_610 : vector<1x16xf32> to vector<16xf32>
        %swap3A_612 = vector.shape_cast %abs3A_607 : vector<16xf32> to vector<1x16xf32>
        tpu.vector_store %arg10[%swap3A_608, %swap3A_609], %swap3A_612 {strides = array<i32>} : memref<40x256xf32, #tpu.memory_space<vmem>>, vector<1x16xf32>,
        %get3A_613 = arith.index_cast %scan3A_49 : i32 to index
        %get3A_614 = arith.constant 208 : index
        %get3A_615 = tpu.vector_load %arg11[%get3A_613, %get3A_614] {strides = array<i32>} : memref<40x256xf32, #tpu.memory_space<vmem>>, vector<1x16xf32>,
        %get3A_616 = vector.shape_cast %get3A_615 : vector<1x16xf32> to vector<16xf32>
        %get3A_617 = arith.index_cast %scan3A_49 : i32 to index
        %get3A_618 = arith.constant 208 : index
        %get3A_619 = tpu.vector_load %arg12[%get3A_617, %get3A_618] {strides = array<i32>} : memref<40x256xf32, #tpu.memory_space<vmem>>, vector<1x16xf32>,
        %get3A_620 = vector.shape_cast %get3A_619 : vector<1x16xf32> to vector<16xf32>
        %add3A_621 = arith.addf %get3A_616, %get3A_620 : vector<16xf32>
        %swap3A_622 = arith.index_cast %scan3A_49 : i32 to index
        %swap3A_623 = arith.constant 208 : index
        %swap3A_624 = tpu.vector_load %arg11[%swap3A_622, %swap3A_623] {strides = array<i32>} : memref<40x256xf32, #tpu.memory_space<vmem>>, vector<1x16xf32>,
        %swap3A_625 = vector.shape_cast %swap3A_624 : vector<1x16xf32> to vector<16xf32>
        %swap3A_626 = vector.shape_cast %add3A_621 : vector<16xf32> to vector<1x16xf32>
        tpu.vector_store %arg11[%swap3A_622, %swap3A_623], %swap3A_626 {strides = array<i32>} : memref<40x256xf32, #tpu.memory_space<vmem>>, vector<1x16xf32>,
        %sub3A_627 = arith.subf %get3A_616, %get3A_620 : vector<16xf32>
        %abs3A_628 = math.absf %sub3A_627 : vector<16xf32>
        %swap3A_629 = arith.index_cast %scan3A_49 : i32 to index
        %swap3A_630 = arith.constant 208 : index
        %swap3A_631 = tpu.vector_load %arg12[%swap3A_629, %swap3A_630] {strides = array<i32>} : memref<40x256xf32, #tpu.memory_space<vmem>>, vector<1x16xf32>,
        %swap3A_632 = vector.shape_cast %swap3A_631 : vector<1x16xf32> to vector<16xf32>
        %swap3A_633 = vector.shape_cast %abs3A_628 : vector<16xf32> to vector<1x16xf32>
        tpu.vector_store %arg12[%swap3A_629, %swap3A_630], %swap3A_633 {strides = array<i32>} : memref<40x256xf32, #tpu.memory_space<vmem>>, vector<1x16xf32>,
        %get3A_634 = arith.index_cast %scan3A_49 : i32 to index
        %get3A_635 = arith.constant 224 : index
        %get3A_636 = tpu.vector_load %arg9[%get3A_634, %get3A_635] {strides = array<i32>} : memref<40x256xf32, #tpu.memory_space<vmem>>, vector<1x16xf32>,
        %get3A_637 = vector.shape_cast %get3A_636 : vector<1x16xf32> to vector<16xf32>
        %get3A_638 = arith.index_cast %scan3A_49 : i32 to index
        %get3A_639 = arith.constant 224 : index
        %get3A_640 = tpu.vector_load %arg10[%get3A_638, %get3A_639] {strides = array<i32>} : memref<40x256xf32, #tpu.memory_space<vmem>>, vector<1x16xf32>,
        %get3A_641 = vector.shape_cast %get3A_640 : vector<1x16xf32> to vector<16xf32>
        %add3A_642 = arith.addf %get3A_637, %get3A_641 : vector<16xf32>
        %swap3A_643 = arith.index_cast %scan3A_49 : i32 to index
        %swap3A_644 = arith.constant 224 : index
        %swap3A_645 = tpu.vector_load %arg9[%swap3A_643, %swap3A_644] {strides = array<i32>} : memref<40x256xf32, #tpu.memory_space<vmem>>, vector<1x16xf32>,
        %swap3A_646 = vector.shape_cast %swap3A_645 : vector<1x16xf32> to vector<16xf32>
        %swap3A_647 = vector.shape_cast %add3A_642 : vector<16xf32> to vector<1x16xf32>
        tpu.vector_store %arg9[%swap3A_643, %swap3A_644], %swap3A_647 {strides = array<i32>} : memref<40x256xf32, #tpu.memory_space<vmem>>, vector<1x16xf32>,
        %sub3A_648 = arith.subf %get3A_637, %get3A_641 : vector<16xf32>
        %abs3A_649 = math.absf %sub3A_648 : vector<16xf32>
        %swap3A_650 = arith.index_cast %scan3A_49 : i32 to index
        %swap3A_651 = arith.constant 224 : index
        %swap3A_652 = tpu.vector_load %arg10[%swap3A_650, %swap3A_651] {strides = array<i32>} : memref<40x256xf32, #tpu.memory_space<vmem>>, vector<1x16xf32>,
        %swap3A_653 = vector.shape_cast %swap3A_652 : vector<1x16xf32> to vector<16xf32>
        %swap3A_654 = vector.shape_cast %abs3A_649 : vector<16xf32> to vector<1x16xf32>
        tpu.vector_store %arg10[%swap3A_650, %swap3A_651], %swap3A_654 {strides = array<i32>} : memref<40x256xf32, #tpu.memory_space<vmem>>, vector<1x16xf32>,
        %get3A_655 = arith.index_cast %scan3A_49 : i32 to index
        %get3A_656 = arith.constant 224 : index
        %get3A_657 = tpu.vector_load %arg11[%get3A_655, %get3A_656] {strides = array<i32>} : memref<40x256xf32, #tpu.memory_space<vmem>>, vector<1x16xf32>,
        %get3A_658 = vector.shape_cast %get3A_657 : vector<1x16xf32> to vector<16xf32>
        %get3A_659 = arith.index_cast %scan3A_49 : i32 to index
        %get3A_660 = arith.constant 224 : index
        %get3A_661 = tpu.vector_load %arg12[%get3A_659, %get3A_660] {strides = array<i32>} : memref<40x256xf32, #tpu.memory_space<vmem>>, vector<1x16xf32>,
        %get3A_662 = vector.shape_cast %get3A_661 : vector<1x16xf32> to vector<16xf32>
        %add3A_663 = arith.addf %get3A_658, %get3A_662 : vector<16xf32>
        %swap3A_664 = arith.index_cast %scan3A_49 : i32 to index
        %swap3A_665 = arith.constant 224 : index
        %swap3A_666 = tpu.vector_load %arg11[%swap3A_664, %swap3A_665] {strides = array<i32>} : memref<40x256xf32, #tpu.memory_space<vmem>>, vector<1x16xf32>,
        %swap3A_667 = vector.shape_cast %swap3A_666 : vector<1x16xf32> to vector<16xf32>
        %swap3A_668 = vector.shape_cast %add3A_663 : vector<16xf32> to vector<1x16xf32>
        tpu.vector_store %arg11[%swap3A_664, %swap3A_665], %swap3A_668 {strides = array<i32>} : memref<40x256xf32, #tpu.memory_space<vmem>>, vector<1x16xf32>,
        %sub3A_669 = arith.subf %get3A_658, %get3A_662 : vector<16xf32>
        %abs3A_670 = math.absf %sub3A_669 : vector<16xf32>
        %swap3A_671 = arith.index_cast %scan3A_49 : i32 to index
        %swap3A_672 = arith.constant 224 : index
        %swap3A_673 = tpu.vector_load %arg12[%swap3A_671, %swap3A_672] {strides = array<i32>} : memref<40x256xf32, #tpu.memory_space<vmem>>, vector<1x16xf32>,
        %swap3A_674 = vector.shape_cast %swap3A_673 : vector<1x16xf32> to vector<16xf32>
        %swap3A_675 = vector.shape_cast %abs3A_670 : vector<16xf32> to vector<1x16xf32>
        tpu.vector_store %arg12[%swap3A_671, %swap3A_672], %swap3A_675 {strides = array<i32>} : memref<40x256xf32, #tpu.memory_space<vmem>>, vector<1x16xf32>,
        %get3A_676 = arith.index_cast %scan3A_49 : i32 to index
        %get3A_677 = arith.constant 240 : index
        %get3A_678 = tpu.vector_load %arg9[%get3A_676, %get3A_677] {strides = array<i32>} : memref<40x256xf32, #tpu.memory_space<vmem>>, vector<1x16xf32>,
        %get3A_679 = vector.shape_cast %get3A_678 : vector<1x16xf32> to vector<16xf32>
        %get3A_680 = arith.index_cast %scan3A_49 : i32 to index
        %get3A_681 = arith.constant 240 : index
        %get3A_682 = tpu.vector_load %arg10[%get3A_680, %get3A_681] {strides = array<i32>} : memref<40x256xf32, #tpu.memory_space<vmem>>, vector<1x16xf32>,
        %get3A_683 = vector.shape_cast %get3A_682 : vector<1x16xf32> to vector<16xf32>
        %add3A_684 = arith.addf %get3A_679, %get3A_683 : vector<16xf32>
        %swap3A_685 = arith.index_cast %scan3A_49 : i32 to index
        %swap3A_686 = arith.constant 240 : index
        %swap3A_687 = tpu.vector_load %arg9[%swap3A_685, %swap3A_686] {strides = array<i32>} : memref<40x256xf32, #tpu.memory_space<vmem>>, vector<1x16xf32>,
        %swap3A_688 = vector.shape_cast %swap3A_687 : vector<1x16xf32> to vector<16xf32>
        %swap3A_689 = vector.shape_cast %add3A_684 : vector<16xf32> to vector<1x16xf32>
        tpu.vector_store %arg9[%swap3A_685, %swap3A_686], %swap3A_689 {strides = array<i32>} : memref<40x256xf32, #tpu.memory_space<vmem>>, vector<1x16xf32>,
        %sub3A_690 = arith.subf %get3A_679, %get3A_683 : vector<16xf32>
        %abs3A_691 = math.absf %sub3A_690 : vector<16xf32>
        %swap3A_692 = arith.index_cast %scan3A_49 : i32 to index
        %swap3A_693 = arith.constant 240 : index
        %swap3A_694 = tpu.vector_load %arg10[%swap3A_692, %swap3A_693] {strides = array<i32>} : memref<40x256xf32, #tpu.memory_space<vmem>>, vector<1x16xf32>,
        %swap3A_695 = vector.shape_cast %swap3A_694 : vector<1x16xf32> to vector<16xf32>
        %swap3A_696 = vector.shape_cast %abs3A_691 : vector<16xf32> to vector<1x16xf32>
        tpu.vector_store %arg10[%swap3A_692, %swap3A_693], %swap3A_696 {strides = array<i32>} : memref<40x256xf32, #tpu.memory_space<vmem>>, vector<1x16xf32>,
        %get3A_697 = arith.index_cast %scan3A_49 : i32 to index
        %get3A_698 = arith.constant 240 : index
        %get3A_699 = tpu.vector_load %arg11[%get3A_697, %get3A_698] {strides = array<i32>} : memref<40x256xf32, #tpu.memory_space<vmem>>, vector<1x16xf32>,
        %get3A_700 = vector.shape_cast %get3A_699 : vector<1x16xf32> to vector<16xf32>
        %get3A_701 = arith.index_cast %scan3A_49 : i32 to index
        %get3A_702 = arith.constant 240 : index
        %get3A_703 = tpu.vector_load %arg12[%get3A_701, %get3A_702] {strides = array<i32>} : memref<40x256xf32, #tpu.memory_space<vmem>>, vector<1x16xf32>,
        %get3A_704 = vector.shape_cast %get3A_703 : vector<1x16xf32> to vector<16xf32>
        %add3A_705 = arith.addf %get3A_700, %get3A_704 : vector<16xf32>
        %swap3A_706 = arith.index_cast %scan3A_49 : i32 to index
        %swap3A_707 = arith.constant 240 : index
        %swap3A_708 = tpu.vector_load %arg11[%swap3A_706, %swap3A_707] {strides = array<i32>} : memref<40x256xf32, #tpu.memory_space<vmem>>, vector<1x16xf32>,
        %swap3A_709 = vector.shape_cast %swap3A_708 : vector<1x16xf32> to vector<16xf32>
        %swap3A_710 = vector.shape_cast %add3A_705 : vector<16xf32> to vector<1x16xf32>
        tpu.vector_store %arg11[%swap3A_706, %swap3A_707], %swap3A_710 {strides = array<i32>} : memref<40x256xf32, #tpu.memory_space<vmem>>, vector<1x16xf32>,
        %sub3A_711 = arith.subf %get3A_700, %get3A_704 : vector<16xf32>
        %abs3A_712 = math.absf %sub3A_711 : vector<16xf32>
        %swap3A_713 = arith.index_cast %scan3A_49 : i32 to index
        %swap3A_714 = arith.constant 240 : index
        %swap3A_715 = tpu.vector_load %arg12[%swap3A_713, %swap3A_714] {strides = array<i32>} : memref<40x256xf32, #tpu.memory_space<vmem>>, vector<1x16xf32>,
        %swap3A_716 = vector.shape_cast %swap3A_715 : vector<1x16xf32> to vector<16xf32>
        %swap3A_717 = vector.shape_cast %abs3A_712 : vector<16xf32> to vector<1x16xf32>
        tpu.vector_store %arg12[%swap3A_713, %swap3A_714], %swap3A_717 {strides = array<i32>} : memref<40x256xf32, #tpu.memory_space<vmem>>, vector<1x16xf32>,
      }
      %scan3A_45 = arith.constant 40 : i32
      %run_scoped3A = arith.constant 0 : i32
      "tpu.region"() ({
        %run_scoped3A_49 = tpu.sem_alloc : memref<!tpu.dma_semaphore, #tpu.memory_space<semaphore_mem>>
        %dma_start3A_50 = arith.constant 0 : i32
        %dma_start3A_51 = tpu.memref_slice %arg4[%run_scoped3A, %add3A_10, %dma_start3A_50] : memref<4x160000x256xf32, #tpu.memory_space<hbm>> -> memref<1x40x256xf32, #tpu.memory_space<hbm>>
        %dma_start3A_52 = tpu.memref_squeeze %dma_start3A_51 : memref<1x40x256xf32, #tpu.memory_space<hbm>> -> memref<40x256xf32, #tpu.memory_space<hbm>>
        %dma_start3A_53 = arith.constant 0 : i32
        %dma_start3A_54 = tpu.memref_slice %arg4[%run_scoped3A, %add3A_10, %dma_start3A_53] : memref<4x160000x256xf32, #tpu.memory_space<hbm>> -> memref<1x40x256xf32, #tpu.memory_space<hbm>>
        %dma_start3A_55 = tpu.memref_squeeze %dma_start3A_54 : memref<1x40x256xf32, #tpu.memory_space<hbm>> -> memref<40x256xf32, #tpu.memory_space<hbm>>
        tpu.enqueue_dma source(%arg9 : memref<40x256xf32, #tpu.memory_space<vmem>>) target(%dma_start3A_55 : memref<40x256xf32, #tpu.memory_space<hbm>>) target_semaphore(%run_scoped3A_49 : memref<!tpu.dma_semaphore, #tpu.memory_space<semaphore_mem>>)
        %dma_wait3A_56 = arith.constant 0 : i32
        %dma_wait3A_57 = tpu.memref_slice %arg4[%run_scoped3A, %add3A_10, %dma_wait3A_56] : memref<4x160000x256xf32, #tpu.memory_space<hbm>> -> memref<1x40x256xf32, #tpu.memory_space<hbm>>
        %dma_wait3A_58 = tpu.memref_squeeze %dma_wait3A_57 : memref<1x40x256xf32, #tpu.memory_space<hbm>> -> memref<40x256xf32, #tpu.memory_space<hbm>>
        %dma_wait3A_59 = arith.constant 0 : i32
        %dma_wait3A_60 = tpu.memref_slice %arg4[%run_scoped3A, %add3A_10, %dma_wait3A_59] : memref<4x160000x256xf32, #tpu.memory_space<hbm>> -> memref<1x40x256xf32, #tpu.memory_space<hbm>>
        %dma_wait3A_61 = tpu.memref_squeeze %dma_wait3A_60 : memref<1x40x256xf32, #tpu.memory_space<hbm>> -> memref<40x256xf32, #tpu.memory_space<hbm>>
        tpu.wait_dma2 semaphore(%run_scoped3A_49 : memref<!tpu.dma_semaphore, #tpu.memory_space<semaphore_mem>>) src(%arg9 : memref<40x256xf32, #tpu.memory_space<vmem>>) dst(%dma_wait3A_61 : memref<40x256xf32, #tpu.memory_space<hbm>>)
        tpu.yield
      }) : () -> ()
      %run_scoped3A_46 = arith.constant 1 : i32
      "tpu.region"() ({
        %run_scoped3A_49 = tpu.sem_alloc : memref<!tpu.dma_semaphore, #tpu.memory_space<semaphore_mem>>
        %dma_start3A_50 = arith.constant 0 : i32
        %dma_start3A_51 = tpu.memref_slice %arg4[%run_scoped3A_46, %add3A_10, %dma_start3A_50] : memref<4x160000x256xf32, #tpu.memory_space<hbm>> -> memref<1x40x256xf32, #tpu.memory_space<hbm>>
        %dma_start3A_52 = tpu.memref_squeeze %dma_start3A_51 : memref<1x40x256xf32, #tpu.memory_space<hbm>> -> memref<40x256xf32, #tpu.memory_space<hbm>>
        %dma_start3A_53 = arith.constant 0 : i32
        %dma_start3A_54 = tpu.memref_slice %arg4[%run_scoped3A_46, %add3A_10, %dma_start3A_53] : memref<4x160000x256xf32, #tpu.memory_space<hbm>> -> memref<1x40x256xf32, #tpu.memory_space<hbm>>
        %dma_start3A_55 = tpu.memref_squeeze %dma_start3A_54 : memref<1x40x256xf32, #tpu.memory_space<hbm>> -> memref<40x256xf32, #tpu.memory_space<hbm>>
        tpu.enqueue_dma source(%arg11 : memref<40x256xf32, #tpu.memory_space<vmem>>) target(%dma_start3A_55 : memref<40x256xf32, #tpu.memory_space<hbm>>) target_semaphore(%run_scoped3A_49 : memref<!tpu.dma_semaphore, #tpu.memory_space<semaphore_mem>>)
        %dma_wait3A_56 = arith.constant 0 : i32
        %dma_wait3A_57 = tpu.memref_slice %arg4[%run_scoped3A_46, %add3A_10, %dma_wait3A_56] : memref<4x160000x256xf32, #tpu.memory_space<hbm>> -> memref<1x40x256xf32, #tpu.memory_space<hbm>>
        %dma_wait3A_58 = tpu.memref_squeeze %dma_wait3A_57 : memref<1x40x256xf32, #tpu.memory_space<hbm>> -> memref<40x256xf32, #tpu.memory_space<hbm>>
        %dma_wait3A_59 = arith.constant 0 : i32
        %dma_wait3A_60 = tpu.memref_slice %arg4[%run_scoped3A_46, %add3A_10, %dma_wait3A_59] : memref<4x160000x256xf32, #tpu.memory_space<hbm>> -> memref<1x40x256xf32, #tpu.memory_space<hbm>>
        %dma_wait3A_61 = tpu.memref_squeeze %dma_wait3A_60 : memref<1x40x256xf32, #tpu.memory_space<hbm>> -> memref<40x256xf32, #tpu.memory_space<hbm>>
        tpu.wait_dma2 semaphore(%run_scoped3A_49 : memref<!tpu.dma_semaphore, #tpu.memory_space<semaphore_mem>>) src(%arg11 : memref<40x256xf32, #tpu.memory_space<vmem>>) dst(%dma_wait3A_61 : memref<40x256xf32, #tpu.memory_space<hbm>>)
        tpu.yield
      }) : () -> ()
      %run_scoped3A_47 = arith.constant 2 : i32
      "tpu.region"() ({
        %run_scoped3A_49 = tpu.sem_alloc : memref<!tpu.dma_semaphore, #tpu.memory_space<semaphore_mem>>
        %dma_start3A_50 = arith.constant 0 : i32
        %dma_start3A_51 = tpu.memref_slice %arg4[%run_scoped3A_47, %add3A_10, %dma_start3A_50] : memref<4x160000x256xf32, #tpu.memory_space<hbm>> -> memref<1x40x256xf32, #tpu.memory_space<hbm>>
        %dma_start3A_52 = tpu.memref_squeeze %dma_start3A_51 : memref<1x40x256xf32, #tpu.memory_space<hbm>> -> memref<40x256xf32, #tpu.memory_space<hbm>>
        %dma_start3A_53 = arith.constant 0 : i32
        %dma_start3A_54 = tpu.memref_slice %arg4[%run_scoped3A_47, %add3A_10, %dma_start3A_53] : memref<4x160000x256xf32, #tpu.memory_space<hbm>> -> memref<1x40x256xf32, #tpu.memory_space<hbm>>
        %dma_start3A_55 = tpu.memref_squeeze %dma_start3A_54 : memref<1x40x256xf32, #tpu.memory_space<hbm>> -> memref<40x256xf32, #tpu.memory_space<hbm>>
        tpu.enqueue_dma source(%arg10 : memref<40x256xf32, #tpu.memory_space<vmem>>) target(%dma_start3A_55 : memref<40x256xf32, #tpu.memory_space<hbm>>) target_semaphore(%run_scoped3A_49 : memref<!tpu.dma_semaphore, #tpu.memory_space<semaphore_mem>>)
        %dma_wait3A_56 = arith.constant 0 : i32
        %dma_wait3A_57 = tpu.memref_slice %arg4[%run_scoped3A_47, %add3A_10, %dma_wait3A_56] : memref<4x160000x256xf32, #tpu.memory_space<hbm>> -> memref<1x40x256xf32, #tpu.memory_space<hbm>>
        %dma_wait3A_58 = tpu.memref_squeeze %dma_wait3A_57 : memref<1x40x256xf32, #tpu.memory_space<hbm>> -> memref<40x256xf32, #tpu.memory_space<hbm>>
        %dma_wait3A_59 = arith.constant 0 : i32
        %dma_wait3A_60 = tpu.memref_slice %arg4[%run_scoped3A_47, %add3A_10, %dma_wait3A_59] : memref<4x160000x256xf32, #tpu.memory_space<hbm>> -> memref<1x40x256xf32, #tpu.memory_space<hbm>>
        %dma_wait3A_61 = tpu.memref_squeeze %dma_wait3A_60 : memref<1x40x256xf32, #tpu.memory_space<hbm>> -> memref<40x256xf32, #tpu.memory_space<hbm>>
        tpu.wait_dma2 semaphore(%run_scoped3A_49 : memref<!tpu.dma_semaphore, #tpu.memory_space<semaphore_mem>>) src(%arg10 : memref<40x256xf32, #tpu.memory_space<vmem>>) dst(%dma_wait3A_61 : memref<40x256xf32, #tpu.memory_space<hbm>>)
        tpu.yield
      }) : () -> ()
      %run_scoped3A_48 = arith.constant 3 : i32
      "tpu.region"() ({
        %run_scoped3A_49 = tpu.sem_alloc : memref<!tpu.dma_semaphore, #tpu.memory_space<semaphore_mem>>
        %dma_start3A_50 = arith.constant 0 : i32
        %dma_start3A_51 = tpu.memref_slice %arg4[%run_scoped3A_48, %add3A_10, %dma_start3A_50] : memref<4x160000x256xf32, #tpu.memory_space<hbm>> -> memref<1x40x256xf32, #tpu.memory_space<hbm>>
        %dma_start3A_52 = tpu.memref_squeeze %dma_start3A_51 : memref<1x40x256xf32, #tpu.memory_space<hbm>> -> memref<40x256xf32, #tpu.memory_space<hbm>>
        %dma_start3A_53 = arith.constant 0 : i32
        %dma_start3A_54 = tpu.memref_slice %arg4[%run_scoped3A_48, %add3A_10, %dma_start3A_53] : memref<4x160000x256xf32, #tpu.memory_space<hbm>> -> memref<1x40x256xf32, #tpu.memory_space<hbm>>
        %dma_start3A_55 = tpu.memref_squeeze %dma_start3A_54 : memref<1x40x256xf32, #tpu.memory_space<hbm>> -> memref<40x256xf32, #tpu.memory_space<hbm>>
        tpu.enqueue_dma source(%arg12 : memref<40x256xf32, #tpu.memory_space<vmem>>) target(%dma_start3A_55 : memref<40x256xf32, #tpu.memory_space<hbm>>) target_semaphore(%run_scoped3A_49 : memref<!tpu.dma_semaphore, #tpu.memory_space<semaphore_mem>>)
        %dma_wait3A_56 = arith.constant 0 : i32
        %dma_wait3A_57 = tpu.memref_slice %arg4[%run_scoped3A_48, %add3A_10, %dma_wait3A_56] : memref<4x160000x256xf32, #tpu.memory_space<hbm>> -> memref<1x40x256xf32, #tpu.memory_space<hbm>>
        %dma_wait3A_58 = tpu.memref_squeeze %dma_wait3A_57 : memref<1x40x256xf32, #tpu.memory_space<hbm>> -> memref<40x256xf32, #tpu.memory_space<hbm>>
        %dma_wait3A_59 = arith.constant 0 : i32
        %dma_wait3A_60 = tpu.memref_slice %arg4[%run_scoped3A_48, %add3A_10, %dma_wait3A_59] : memref<4x160000x256xf32, #tpu.memory_space<hbm>> -> memref<1x40x256xf32, #tpu.memory_space<hbm>>
        %dma_wait3A_61 = tpu.memref_squeeze %dma_wait3A_60 : memref<1x40x256xf32, #tpu.memory_space<hbm>> -> memref<40x256xf32, #tpu.memory_space<hbm>>
        tpu.wait_dma2 semaphore(%run_scoped3A_49 : memref<!tpu.dma_semaphore, #tpu.memory_space<semaphore_mem>>) src(%arg12 : memref<40x256xf32, #tpu.memory_space<vmem>>) dst(%dma_wait3A_61 : memref<40x256xf32, #tpu.memory_space<hbm>>)
        tpu.yield
      }) : () -> ()
    }
    %scan3A_6 = arith.constant 125 : i32
    return
  }
}

</mosaic_0001>

<sc_bundles>
// kernel: _sc_combine.3.cloned.1.call-start
scs
__scs_entry_jumppad:
0x0: {  	(pc) =	sbr.rel $0x88, $3  }
0x1: {  	(tag) =	ssettag $0x0;
	lr =	simm.s32 $0x1  }
0x2: {  	[smem:$0x3F9F] =	sst lr;
	_ =	strace $0xD0000000  }
0x3: {  	_ = 	snop  }
0x4: {  	_ = 	snop  }
0x5: {  	_ = 	snop  }
0x6: {  	_ = 	snop  }
0x7: {  	_ = 	snop  }
__scs_overlays_trampoline_lowered:
0x8: {  	[smem:$0x3FAE] =	sst s0  }
0x9: {  	[smem:$0x3FAF] =	sst s1  }
0xa: {  	[smem:$0x3FB0] =	sst s2  }
0xb: {  	[smem:$0x3FB1] =	sst s3  }
0xc: {  	[smem:$0x3FB2] =	sst s4  }
0xd: {  	[smem:$0x3FB3] =	sst s5  }
0xe: {  	[smem:$0x3FB4] =	sst s6  }
0xf: {  	[smem:$0x3FB5] =	sst s7  }
0x10: {  	[smem:$0x3FB6] =	sst s8  }
0x11: {  	[smem:$0x3FB7] =	sst s9;
	s0 =	simm.s32 @!p0 $0x0  }
0x12: {  	s1 =	sld [smem:$0x3F9D];
	s0 =	simm.s32 @p0 $0x1  }
0x13: {  	[smem:$0x3FB8] =	sst s0;
	s0 =	simm.s32 @!p1 $0x0  }
0x14: {  	s2 =	sld [smem:$0x3F9C];
	s0 =	simm.s32 @p1 $0x1  }
0x15: {  	[smem:$0x3FB9] =	sst s0;
	s0 =	simm.s32 @!p2 $0x0  }
0x16: {  	s3 =	sld [smem:$0x3FDB];
	s0 =	simm.s32 @p2 $0x1  }
0x17: {  	s4 =	simm.s32 $0x1BF5;
	[smem:$0x3FBB] =	sst s0  }
0x18: {  	s0 =	sld [smem:$0x3F9E];
	_ =	swait.ge [sflag:s4], $0x0  }
0x19: {  	s7 =	sld [smem:$0x3F9F]  }
0x1a: {  	s8 =	sadd.s32 $0xFFFFE003, lr  }
0x1b: {  	s9 =	sadd.s32 $0xFFFFFEF7, lr;
	s5 =	simm.s32 $0xFFFFFFFF;
	p2 =	slt.u32 s8, $0xFFFFF086  }
0x1c: {  	p1 =	slt.u32 s9, $0xF7A;
	s5 =	simm.s32 @!p2 $0x0  }
0x1d: {  	s5 =	simm.s32 @p1 $0x1;
	p0 =	seq.s32 s7, s2  }
0x1e: {  	s7 =	smul.u32 @!p0 $0xF7A, s2;
	p2 =	seq.s32 @!p0 s5, $0x0  }
0x1f: {  	s9 =	smul.u32 $0xF7A, s1;
	s8 =	simm.s32 @!p0 $0x1BF5;
	p2 =	por !p2, p0  }
0x20: {  	[sflag:s8] =	ssyncset.s32 @!p0 $0xFFFFF086;
	s6 =	sadd.s32 @!p0 s3, s7;
	s7 =	simm.s32 @!p0 $0x108  }
0x21: {  	s3 =	sadd.s32 s3, s9;
	s6 =	sadd.s32 @!p0 $0x88, s6;
	s7 =	simm.s32 @p2 $0x1082  }
0x22: {  	[simem:s7], [sflag:s8] =	dma.local @!p0 [hbm:s6], $0xF7A  }
0x23: {  	s9 =	sor.u32 $0xD0000000, s2;
	s6 =	simm.s32 $0x108;
	_ =	swait.ge @!p0 [sflag:s8], $0x0  }
0x24: {  	s3 =	sadd.s32 $0x88, s3;
	s6 =	simm.s32 @!p1 $0x1082;
	[sflag:s4] =	ssyncset.s32 $0xFFFFF086  }
0x25: {  	[simem:s6], [sflag:s4] =	dma.local [hbm:s3], $0xF7A  }
0x26: {  	[smem:$0x3F9F] =	sst s1;
	(tag) =	ssettag s2;
	_ =	strace s9  }
0x27: {  	s1 =	sld [smem:$0x3FAF]  }
0x28: {  	s2 =	sld [smem:$0x3FB0]  }
0x29: {  	s4 =	sld [smem:$0x3FB2]  }
0x2a: {  	p0 =	seq.s32 s5, $0x0;
	s5 =	sld [smem:$0x3FB3]  }
0x2b: {  	s6 =	sld [smem:$0x3FB4]  }
0x2c: {  	s7 =	sld [smem:$0x3FB5]  }
0x2d: {  	s3 =	simm.s32 $0x108;
	s8 =	sld [smem:$0x3FB6]  }
0x2e: {  	s3 =	simm.s32 @!p0 $0x1082;
	s9 =	sld [smem:$0x3FB7]  }
0x2f: {  	lr =	sadd.s32 s0, s3;
	s0 =	sld [smem:$0x3FAE]  }
0x30: {  	s3 =	sld [smem:$0x3FB1]  }
0x31: {  	[smem:$0x3FBA] =	sst s10  }
0x32: {  	s10 =	sld [smem:$0x3FB8];
	_ =	sdelay $0x3  }
0x33: {  	p0 =	seq.s32 s10, $0x1;
	s10 =	sld [smem:$0x3FBA];
	_ =	sdelay $0x3  }
0x34: {  	[smem:$0x3FBA] =	sst s10  }
0x35: {  	s10 =	sld [smem:$0x3FB9];
	_ =	sdelay $0x3  }
0x36: {  	p1 =	seq.s32 s10, $0x1;
	s10 =	sld [smem:$0x3FBA];
	_ =	sdelay $0x3  }
0x37: {  	[smem:$0x3FBA] =	sst s10  }
0x38: {  	s10 =	sld [smem:$0x3FBB]  }
0x39: {  	_ = 	snop;
	(pc) =	sbr.ind lr, $3  }
0x3a: {  	_ = 	snop  }
0x3b: {  	_ = 	snop  }
0x3c: {  	p2 =	seq.s32 s10, $0x1;
	s10 =	sld [smem:$0x3FBA]  }
0x3d: {  	_ =	shalt  }
0x3e: {  	_ =	shalt  }
0x3f: {  	_ =	shalt  }
0x40: {  	_ =	shalt  }
0x41: {  	_ =	shalt  }
0x42: {  	_ =	shalt  }
0x43: {  	_ =	shalt  }
0x44: {  	_ =	shalt  }
0x45: {  	_ =	shalt  }
0x46: {  	_ =	shalt  }
0x47: {  	_ =	shalt  }
0x48: {  	_ =	shalt  }
0x49: {  	_ =	shalt  }
0x4a: {  	_ =	shalt  }
0x4b: {  	_ =	shalt  }
0x4c: {  	_ =	shalt  }
0x4d: {  	_ =	shalt  }
0x4e: {  	_ =	shalt  }
0x4f: {  	_ =	shalt  }
0x50: {  	_ =	shalt  }
0x51: {  	_ =	shalt  }
0x52: {  	_ =	shalt  }
0x53: {  	_ =	shalt  }
0x54: {  	_ =	shalt  }
0x55: {  	_ =	shalt  }
0x56: {  	_ =	shalt  }
0x57: {  	_ =	shalt  }
0x58: {  	_ =	shalt  }
0x59: {  	_ =	shalt  }
0x5a: {  	_ =	shalt  }
0x5b: {  	_ =	shalt  }
0x5c: {  	_ =	shalt  }
0x5d: {  	_ =	shalt  }
0x5e: {  	_ =	shalt  }
0x5f: {  	_ =	shalt  }
0x60: {  	_ =	shalt  }
0x61: {  	_ =	shalt  }
0x62: {  	_ =	shalt  }
0x63: {  	_ =	shalt  }
0x64: {  	_ =	shalt  }
0x65: {  	_ =	shalt  }
0x66: {  	_ =	shalt  }
0x67: {  	_ =	shalt  }
0x68: {  	_ =	shalt  }
0x69: {  	_ =	shalt  }
0x6a: {  	_ =	shalt  }
0x6b: {  	_ =	shalt  }
0x6c: {  	_ =	shalt  }
0x6d: {  	_ =	shalt  }
0x6e: {  	_ =	shalt  }
0x6f: {  	_ =	shalt  }
0x70: {  	_ =	shalt  }
0x71: {  	_ =	shalt  }
0x72: {  	_ =	shalt  }
0x73: {  	_ =	shalt  }
0x74: {  	_ =	shalt  }
0x75: {  	_ =	shalt  }
0x76: {  	_ =	shalt  }
0x77: {  	_ =	shalt  }
0x78: {  	_ =	shalt  }
0x79: {  	_ =	shalt  }
0x7a: {  	_ =	shalt  }
0x7b: {  	_ =	shalt  }
0x7c: {  	_ =	shalt  }
0x7d: {  	_ =	shalt  }
0x7e: {  	_ =	shalt  }
0x7f: {  	_ =	shalt  }
0x80: {  	_ =	shalt  }
0x81: {  	_ =	shalt  }
0x82: {  	_ =	shalt  }
0x83: {  	_ =	shalt  }
0x84: {  	_ =	shalt  }
0x85: {  	_ =	shalt  }
0x86: {  	_ =	shalt  }
0x87: {  	_ =	shalt  }
.Lfunc_end0:
.L_simem_size_0:
called_computation_lowered:
.L_overlay_start_0:
0x88: {  	s2 =	sld [smem:$0x3FD9]  }
0x89: {  	s3 =	sld [smem:$0x3FFE];
	_ =	sdelay $0x1  }
0x8a: {  	s1 =	srdreg.scid  }
0x8b: {  	s0 =	sand.u32 $0x1, s1  }
0x8c: {  	s18 =	sshll.u32 s0, $0xA;
	s2 =	sadd.s32 s3, s2  }
0x8d: {  	s2 =	sadd.s32 s2, s18  }
0x8e: {  	[smem:$0x3FC6] =	sst s2  }
0x8f: {  	_ = 	snop  }
0x90: {  	s2 =	sld [smem:$0x3FC9]  }
0x91: {  	s19 =	sld [smem:$0x3FC8]  }
0x92: {  	s4 =	sld [smem:$0x3FD0];
	(tm) =	ssettm $0x1  }
0x93: {  	s5 =	sld [smem:$0x3FFB];
	_ =	sdelay $0x3  }
0x94: {  	_ =	strace s5  }
0x95: {  	s5 =	sld [smem:$0x3FFC];
	_ =	sdelay $0x3  }
0x96: {  	_ =	strace s5  }
0x97: {  	s5 =	sld [smem:$0x3FFD];
	_ =	sdelay $0x3  }
0x98: {  	_ =	strace s5  }
0x99: {  	_ =	strace $0x8FFFFFFF  }
0x9a: {  	s20 =	sld [smem:$0x3FDB];
	_ =	sdelay $0x1  }
0x9b: {  	s6 =	simm.s32 $_scs_section_size  }
0x9c: {  	s7 =	simm.s32 $_size__tile_overlayer_lowered;
	s8 =	simm.s32 $_tile_overlayer_lowered  }
0x9d: {  	s23 =	simm.s32 $0x1BFF;
	s22 =	sshll.u32 s8, $0x1;
	s5 =	sadd.s32 s6, s20  }
0x9e: {  	s9 =	simm.s32 $0x0;
	s21 =	sshll.u32 s7, $0x1;
	s7 =	sadd.s32 s22, s5  }
0x9f: {  	[timem:s9], [sflag:s23] =	dma.local [hbm:s7], s21  }
0xa0: {  	_ =	swait.ge [sflag:s23], s21  }
0xa1: {  	s6 =	ssub.s32 $0x0, s21;
	[sflag:s23] =	ssyncset.done $0x0  }
0xa2: {  	[sflag:s23] =	ssyncadd.s32 s6;
	_ =	sdelay $0x1  }
0xa3: {  	s24 =	simm.s32 $0x1B8B  }
0xa4: {  	_ =	swait.ge [sflag:s24], $0x1  }
0xa5: {  	[sflag:s24] =	ssyncset.done $0x0  }
0xa6: {  	s25 =	simm.s32 $0x1B8E;
	[sflag:s24] =	ssyncadd.s32 $0xFFFFFFFF  }
0xa7: {  	s26 =	simm.s32 $execute0_lowered;
	[smem:$0x3FD2] =	sst s25  }
0xa8: {  	s6 =	sshll.u32 s26, $0x1;
	_ =	strace $0x80000046;
	[dreg:$0x1] =	wrdreg $0xFFFFFFFF  }
0xa9: {  	s28 =	simm.s32 $_size_execute0_lowered;
	s5 =	sadd.s32 s5, s6;
	[dreg:$0x0] =	wrdreg $0x0  }
0xaa: {  	s6 =	sshll.u32 s28, $0x1;
	[dreg:$0x2] =	wrdreg s5  }
0xab: {  	[dreg:$0x3] =	wrdreg s6  }
0xac: {  	[dreg:$0x4] =	wrdreg $0xC0  }
0xad: {  	_ =	task [dreg:s9], $0x5FFFF  }
0xae: {  	[dreg:$0x1] =	wrdreg $0xFFFFFFFF  }
0xaf: {  	[dreg:$0x0] =	wrdreg $0x60  }
0xb0: {  	[dreg:$0x2] =	wrdreg s2  }
0xb1: {  	[dreg:$0x3] =	wrdreg s19  }
0xb2: {  	[dreg:$0x4] =	wrdreg s4  }
0xb3: {  	[dreg:$0x5] =	wrdreg $0x9  }
0xb4: {  	_ =	task.clear_ibuf [dreg:s9], $0x6FFFF;
	_ =	strace $0x90000046  }
0xb5: {  	s29 =	simm.s32 $0x9;
	_ =	strace $0x80000048  }
0xb6: {  	_ =	swait.ge [sflag:s29], $0x1  }
0xb7: {  	[sflag:s29] =	ssyncadd.s32 $0xFFFFFFFF  }
0xb8: {  	_ =	strace $0x90000048  }
0xb9: {  	_ =	sfence  }
0xba: {  	s30 =	sld [smem:$0x0];
	_ =	sdelay $0x2  }
0xbb: {  	s31 =	sshll.u32 s1, $0xD;
	s1 =	sshrl.u32 s1, $0x2  }
0xbc: {  	s3 =	sand.u32 $0x4000, s31;
	s1 =	sadd.s32 s1, s30  }
0xbd: {  	s0 =	sor.u32 s3, s0;
	s1 =	sshll.u32 s1, $0x11  }
0xbe: {  	s0 =	sor.u32 s1, s0  }
0xbf: {  	s0 =	sadd.s32 $0x8F2B, s0  }
0xc0: {  	[sflag:s0] =	ssyncadd.remote.s32 $0x1  }
0xc1: {  	_ =	sfence.sel $0xFFFF  }
0xc2: {  	[dreg:$0x0] =	wrdreg $0xFFFFFFFF;
	(pc) =	sbr.abs _section_cstart, $3  }
0xc3: {  	[dreg:$0x1] =	wrdreg $0xFFFFFFFF  }
0xc4: {  	_ =	task.clear_ibuf [dreg:s9], $0x2FFFF;
	_ =	strace $0x9FFFFFFF  }
0xc5: {  	(tm) =	ssettm $0x7FFFFFFF  }
tec
execute0_lowered:
.L_overlay_start_1:
0x0: {  	(tag) =	ssettag $0x1  }
0x1: {  	s1 =	rddreg [dreg:$0x0]  }
0x2: {  	s4 =	rddreg [dreg:$0x2]  }
0x3: {  	s0 =	srdreg.scid;
	s3 =	stileid.u32  }
0x4: {  	s5 =	simm.s32 $0x0;
	s8 =	simm.s32 $0x2;
	s12 =	simm.s32 $0x200  }
0x5: {  	s15 =	simm.s32 $0x1A00;
	s16 =	simm.s32 $0x2200;
	s17 =	simm.s32 $0x5200  }
0x6: {  	s18 =	simm.s32 $0x5A00;
	s19 =	simm.s32 $0x6200;
	s20 =	simm.s32 $0x6A00  }
0x7: {  	s21 =	simm.s32 $0x7200;
	s22 =	simm.s32 $0x2A00;
	s23 =	simm.s32 $0x3200  }
0x8: {  	s24 =	simm.s32 $0x3A00;
	s25 =	simm.s32 $0x4200;
	s28 =	simm.s32 $0x7A00  }
0x9: {  	s29 =	simm.s32 $0x8200;
	s30 =	simm.s32 $0x8A00;
	s0 =	sand.u32 $0x1, s0  }
0xa: {  	s31 =	simm.s32 $0x9200;
	s7 =	simm.s32 $0x0;
	s2 =	ssub.s32 $0x2, s0  }
0xb: {  	s3 =	sshll.u32 s3, $0x1;
	[smem:$0x7FF] =	sst s5;
	s6 =	sshrl.u32 s2, $0x1  }
0xc: {  	v2 =	vlaneseq.u32;
	s0 =	sor.u32 s0, s3;
	_ =	strace $0x80000047;
	s2 =	ssub.s32 s2, s6  }
0xd: {  	vm0 =	vmmov $0xffff;
	v1 =	vshrl.u32 v2, $0x3;
	s6 =	smul.u32 $0x1388, s0;
	s0 =	simm.s32 $0x9A00;
	s26 =	smax.u32 s2, $0x1  }
0xe: {  	v0 =	vand.u32 $0x7, v2;
	v2 =	vor.u32 $0x8, v2;
	v1 =	vmul.u32 $0x8, v1;
	s2 =	simm.s32 $0x1;
	[dreg:$0x4] =	wrdreg s26;
	s26 =	simm.s32 $0x4A00  }
.LBB2_1:
0xf: {  	[dreg:$0x5] =	wrdreg s7;
	s7 =	simm.s32 $0x0  }
.LBB2_2:
0x10: {  	s3 =	smul.u32 $0x28, s7;
	_ =	sdelay $0x1  }
0x11: {  	s3 =	sadd.s32 s6, s3  }
0x12: {  	s10 =	rddreg [dreg:$0x1];
	s9 =	sshrl.u32 s3, $0x3  }
0x13: {  	s10 =	sadd.s32 s10, s9;
	s9 =	simm.s32 $0x0  }
0x14: {  	[tilespmem:s9], [sflag:$0x2] =	stream.linear.gather [hbm4b:s10+s9], $0x28, $0x38;
	[tilespmem:$0xA200] =	vst v63  }
0x15: {  	_ =	swait.ge [sflag:s8], $0x28  }
0x16: {  	[sflag:s8] =	ssyncset.done $0x0  }
0x17: {  	s13 =	simm.s32 $0x80;
	s11 =	sadd.s32 $0x4E20, s10;
	[sflag:s8] =	ssyncadd.s32 $0xFFFFFFD8  }
0x18: {  	[tilespmem:s13], [sflag:$0x2] =	stream.linear.gather [hbm4b:s11+s9], $0x28, $0x38;
	[tilespmem:$0xA200] =	vst v63  }
0x19: {  	_ =	swait.ge [sflag:s8], $0x28  }
0x1a: {  	[sflag:s8] =	ssyncset.done $0x0  }
0x1b: {  	s14 =	simm.s32 $0x100;
	s13 =	sadd.s32 $0x9C40, s10;
	[sflag:s8] =	ssyncadd.s32 $0xFFFFFFD8  }
0x1c: {  	[tilespmem:s14], [sflag:$0x2] =	stream.linear.gather [hbm4b:s13+s9], $0x28, $0x38;
	[tilespmem:$0xA200] =	vst v63  }
0x1d: {  	_ =	swait.ge [sflag:s8], $0x28  }
0x1e: {  	[sflag:s8] =	ssyncset.done $0x0  }
0x1f: {  	s10 =	sadd.s32 $0xEA60, s10;
	s13 =	simm.s32 $0x180;
	[sflag:s8] =	ssyncadd.s32 $0xFFFFFFD8  }
0x20: {  	[tilespmem:s13], [sflag:$0x2] =	stream.linear.gather [hbm4b:s10+s9], $0x28, $0x38;
	[tilespmem:$0xA200] =	vst v63  }
0x21: {  	_ =	swait.ge [sflag:s8], $0x28  }
0x22: {  	[sflag:s8] =	ssyncset.done $0x0  }
0x23: {  	[sflag:s8] =	ssyncadd.s32 $0xFFFFFFD8  }
0x24: {  	v3 =	vld [tilespmem:$0x0];
	_ =	sdelay $0x4  }
0x25: {  	v4 =	vshll.u32 v3, $0x1  }
0x26: {  	v3 =	vand.u32 $0x7, v3;
	v4 =	vand.u32 $0xFFFFFFF0, v4  }
0x27: {  	v3 =	vor.u32 v3, v4  }
0x28: {  	v4 =	vperm.xlane v3, v0;
	_ =	sdelay $0x1  }
0x29: {  	v3 =	vperm.xlane v3, v2;
	v4 =	vadd.s32 v1, v4;
	_ =	sdelay $0x1  }
0x2a: {  	v3 =	vadd.s32 v1, v3;
	_ =	sdelay $0x2  }
0x2b: {  	[tilespmem:s12], [sflag:$0x1] =	stream.indirect_vreg.gather [hbm4b:s1+s9], $0x80, v4, vm0, $0xb8;
	[tilespmem:$0xA200] =	vst v63  }
0x2c: {  	s14 =	simm.s32 $0xA00  }
0x2d: {  	[tilespmem:s14], [sflag:$0x1] =	stream.indirect_vreg.gather [hbm4b:s1+s9], $0x80, v3, vm0, $0xb8;
	[tilespmem:$0xA200] =	vst v63  }
0x2e: {  	v3 =	vld [tilespmem:$0x10];
	_ =	sdelay $0x4  }
0x2f: {  	v4 =	vshll.u32 v3, $0x1  }
0x30: {  	v3 =	vand.u32 $0x7, v3;
	v4 =	vand.u32 $0xFFFFFFF0, v4  }
0x31: {  	v3 =	vor.u32 v3, v4  }
0x32: {  	v4 =	vperm.xlane v3, v0;
	_ =	sdelay $0x1  }
0x33: {  	v3 =	vperm.xlane v3, v2;
	v4 =	vadd.s32 v1, v4;
	_ =	sdelay $0x1  }
0x34: {  	v3 =	vadd.s32 v1, v3;
	_ =	sdelay $0x1  }
0x35: {  	s11 =	simm.s32 $0x1200  }
0x36: {  	[tilespmem:s11], [sflag:$0x1] =	stream.indirect_vreg.gather [hbm4b:s1+s9], $0x80, v4, vm0, $0xb8;
	[tilespmem:$0xA200] =	vst v63  }
0x37: {  	_ = 	snop  }
0x38: {  	[tilespmem:s15], [sflag:$0x1] =	stream.indirect_vreg.gather [hbm4b:s1+s9], $0x80, v3, vm0, $0xb8;
	[tilespmem:$0xA200] =	vst v63  }
0x39: {  	v3 =	vld.msk [tilespmem:$0x20], $0xff;
	_ =	sdelay $0x4  }
0x3a: {  	v4 =	vshll.u32 v3, $0x1  }
0x3b: {  	v3 =	vand.u32 $0x7, v3;
	v4 =	vand.u32 $0xFFFFFFF0, v4  }
0x3c: {  	v3 =	vor.u32 v3, v4  }
0x3d: {  	v3 =	vperm.xlane v3, v0;
	_ =	sdelay $0x1  }
0x3e: {  	v3 =	vadd.s32 v1, v3;
	_ =	sdelay $0x4  }
0x3f: {  	[tilespmem:s16], [sflag:$0x1] =	stream.indirect_vreg.gather [hbm4b:s1+s9], $0x80, v3, vm0, $0xb8;
	[tilespmem:$0xA200] =	vst v63  }
0x40: {  	v3 =	vld [tilespmem:$0x80];
	_ =	sdelay $0x4  }
0x41: {  	v4 =	vshll.u32 v3, $0x1  }
0x42: {  	v3 =	vand.u32 $0x7, v3;
	v4 =	vand.u32 $0xFFFFFFF0, v4  }
0x43: {  	v3 =	vor.u32 v3, v4  }
0x44: {  	v4 =	vperm.xlane v3, v0;
	_ =	sdelay $0x1  }
0x45: {  	v3 =	vperm.xlane v3, v2;
	v4 =	vadd.s32 v1, v4;
	_ =	sdelay $0x1  }
0x46: {  	v3 =	vadd.s32 v1, v3;
	_ =	sdelay $0x2  }
0x47: {  	[tilespmem:s17], [sflag:$0x1] =	stream.indirect_vreg.gather [hbm4b:s1+s9], $0x80, v4, vm0, $0xb8;
	[tilespmem:$0xA200] =	vst v63  }
0x48: {  	_ = 	snop  }
0x49: {  	[tilespmem:s18], [sflag:$0x1] =	stream.indirect_vreg.gather [hbm4b:s1+s9], $0x80, v3, vm0, $0xb8;
	[tilespmem:$0xA200] =	vst v63  }
0x4a: {  	v3 =	vld [tilespmem:$0x90];
	_ =	sdelay $0x4  }
0x4b: {  	v4 =	vshll.u32 v3, $0x1  }
0x4c: {  	v3 =	vand.u32 $0x7, v3;
	v4 =	vand.u32 $0xFFFFFFF0, v4  }
0x4d: {  	v3 =	vor.u32 v3, v4  }
0x4e: {  	v4 =	vperm.xlane v3, v0;
	_ =	sdelay $0x1  }
0x4f: {  	v3 =	vperm.xlane v3, v2;
	v4 =	vadd.s32 v1, v4;
	_ =	sdelay $0x1  }
0x50: {  	v3 =	vadd.s32 v1, v3;
	_ =	sdelay $0x2  }
0x51: {  	[tilespmem:s19], [sflag:$0x1] =	stream.indirect_vreg.gather [hbm4b:s1+s9], $0x80, v4, vm0, $0xb8;
	[tilespmem:$0xA200] =	vst v63  }
0x52: {  	_ = 	snop  }
0x53: {  	[tilespmem:s20], [sflag:$0x1] =	stream.indirect_vreg.gather [hbm4b:s1+s9], $0x80, v3, vm0, $0xb8;
	[tilespmem:$0xA200] =	vst v63  }
0x54: {  	v3 =	vld.msk [tilespmem:$0xA0], $0xff;
	_ =	sdelay $0x4  }
0x55: {  	v4 =	vshll.u32 v3, $0x1  }
0x56: {  	v3 =	vand.u32 $0x7, v3;
	v4 =	vand.u32 $0xFFFFFFF0, v4  }
0x57: {  	v3 =	vor.u32 v3, v4  }
0x58: {  	v3 =	vperm.xlane v3, v0;
	_ =	sdelay $0x1  }
0x59: {  	v3 =	vadd.s32 v1, v3;
	_ =	sdelay $0x4  }
0x5a: {  	[tilespmem:s21], [sflag:$0x1] =	stream.indirect_vreg.gather [hbm4b:s1+s9], $0x80, v3, vm0, $0xb8;
	[tilespmem:$0xA200] =	vst v63  }
0x5b: {  	v3 =	vld [tilespmem:$0x100];
	_ =	sdelay $0x4  }
0x5c: {  	v4 =	vshll.u32 v3, $0x1  }
0x5d: {  	v3 =	vand.u32 $0x7, v3;
	v4 =	vand.u32 $0xFFFFFFF0, v4  }
0x5e: {  	v3 =	vor.u32 v3, v4  }
0x5f: {  	v4 =	vperm.xlane v3, v0;
	_ =	sdelay $0x1  }
0x60: {  	v3 =	vperm.xlane v3, v2;
	v4 =	vadd.s32 v1, v4;
	_ =	sdelay $0x1  }
0x61: {  	v3 =	vadd.s32 v1, v3;
	_ =	sdelay $0x2  }
0x62: {  	[tilespmem:s22], [sflag:$0x1] =	stream.indirect_vreg.gather [hbm4b:s1+s9], $0x80, v4, vm0, $0xb8;
	[tilespmem:$0xA200] =	vst v63  }
0x63: {  	_ = 	snop  }
0x64: {  	[tilespmem:s23], [sflag:$0x1] =	stream.indirect_vreg.gather [hbm4b:s1+s9], $0x80, v3, vm0, $0xb8;
	[tilespmem:$0xA200] =	vst v63  }
0x65: {  	v3 =	vld [tilespmem:$0x110];
	_ =	sdelay $0x4  }
0x66: {  	v4 =	vshll.u32 v3, $0x1  }
0x67: {  	v3 =	vand.u32 $0x7, v3;
	v4 =	vand.u32 $0xFFFFFFF0, v4  }
0x68: {  	v3 =	vor.u32 v3, v4  }
0x69: {  	v4 =	vperm.xlane v3, v0;
	_ =	sdelay $0x1  }
0x6a: {  	v3 =	vperm.xlane v3, v2;
	v4 =	vadd.s32 v1, v4;
	_ =	sdelay $0x1  }
0x6b: {  	v3 =	vadd.s32 v1, v3;
	_ =	sdelay $0x2  }
0x6c: {  	[tilespmem:s24], [sflag:$0x1] =	stream.indirect_vreg.gather [hbm4b:s1+s9], $0x80, v4, vm0, $0xb8;
	[tilespmem:$0xA200] =	vst v63  }
0x6d: {  	_ = 	snop  }
0x6e: {  	[tilespmem:s25], [sflag:$0x1] =	stream.indirect_vreg.gather [hbm4b:s1+s9], $0x80, v3, vm0, $0xb8;
	[tilespmem:$0xA200] =	vst v63  }
0x6f: {  	v3 =	vld.msk [tilespmem:$0x120], $0xff;
	_ =	sdelay $0x4  }
0x70: {  	v4 =	vshll.u32 v3, $0x1  }
0x71: {  	v3 =	vand.u32 $0x7, v3;
	v4 =	vand.u32 $0xFFFFFFF0, v4  }
0x72: {  	v3 =	vor.u32 v3, v4  }
0x73: {  	v3 =	vperm.xlane v3, v0;
	_ =	sdelay $0x1  }
0x74: {  	v3 =	vadd.s32 v1, v3;
	_ =	sdelay $0x4  }
0x75: {  	[tilespmem:s26], [sflag:$0x1] =	stream.indirect_vreg.gather [hbm4b:s1+s9], $0x80, v3, vm0, $0xb8;
	[tilespmem:$0xA200] =	vst v63  }
0x76: {  	v3 =	vld [tilespmem:$0x180];
	_ =	sdelay $0x4  }
0x77: {  	v4 =	vshll.u32 v3, $0x1  }
0x78: {  	v3 =	vand.u32 $0x7, v3;
	v4 =	vand.u32 $0xFFFFFFF0, v4  }
0x79: {  	v3 =	vor.u32 v3, v4  }
0x7a: {  	v4 =	vperm.xlane v3, v0;
	_ =	sdelay $0x1  }
0x7b: {  	v3 =	vperm.xlane v3, v2;
	v4 =	vadd.s32 v1, v4;
	_ =	sdelay $0x1  }
0x7c: {  	v3 =	vadd.s32 v1, v3;
	_ =	sdelay $0x2  }
0x7d: {  	[tilespmem:s28], [sflag:$0x1] =	stream.indirect_vreg.gather [hbm4b:s1+s9], $0x80, v4, vm0, $0xb8;
	[tilespmem:$0xA200] =	vst v63  }
0x7e: {  	_ = 	snop  }
0x7f: {  	[tilespmem:s29], [sflag:$0x1] =	stream.indirect_vreg.gather [hbm4b:s1+s9], $0x80, v3, vm0, $0xb8;
	[tilespmem:$0xA200] =	vst v63  }
0x80: {  	v3 =	vld [tilespmem:$0x190];
	_ =	sdelay $0x4  }
0x81: {  	v4 =	vshll.u32 v3, $0x1  }
0x82: {  	v3 =	vand.u32 $0x7, v3;
	v4 =	vand.u32 $0xFFFFFFF0, v4  }
0x83: {  	v3 =	vor.u32 v3, v4  }
0x84: {  	v4 =	vperm.xlane v3, v0;
	_ =	sdelay $0x1  }
0x85: {  	v3 =	vperm.xlane v3, v2;
	v4 =	vadd.s32 v1, v4;
	_ =	sdelay $0x1  }
0x86: {  	v3 =	vadd.s32 v1, v3;
	_ =	sdelay $0x2  }
0x87: {  	[tilespmem:s30], [sflag:$0x1] =	stream.indirect_vreg.gather [hbm4b:s1+s9], $0x80, v4, vm0, $0xb8;
	[tilespmem:$0xA200] =	vst v63  }
0x88: {  	_ = 	snop  }
0x89: {  	[tilespmem:s31], [sflag:$0x1] =	stream.indirect_vreg.gather [hbm4b:s1+s9], $0x80, v3, vm0, $0xb8;
	[tilespmem:$0xA200] =	vst v63  }
0x8a: {  	v3 =	vld.msk [tilespmem:$0x1A0], $0xff;
	_ =	sdelay $0x4  }
0x8b: {  	v4 =	vshll.u32 v3, $0x1  }
0x8c: {  	v3 =	vand.u32 $0x7, v3;
	v4 =	vand.u32 $0xFFFFFFF0, v4  }
0x8d: {  	v3 =	vor.u32 v3, v4  }
0x8e: {  	v3 =	vperm.xlane v3, v0;
	_ =	sdelay $0x1  }
0x8f: {  	v3 =	vadd.s32 v1, v3;
	_ =	sdelay $0x4  }
0x90: {  	[tilespmem:s0], [sflag:$0x1] =	stream.indirect_vreg.gather [hbm4b:s1+s9], $0x80, v3, vm0, $0xb8;
	[tilespmem:$0xA200] =	vst v63  }
0x91: {  	_ =	swait.ge [sflag:s2], $0x2800  }
0x92: {  	[sflag:s2] =	ssyncset.done $0x0  }
0x93: {  	[sflag:s2] =	ssyncadd.s32 $0xFFFFD800  }
0x94: {  	_ =	swait.ge [sflag:s2], $0x2800  }
0x95: {  	[sflag:s2] =	ssyncset.done $0x0  }
0x96: {  	[sflag:s2] =	ssyncadd.s32 $0xFFFFD800  }
0x97: {  	_ =	swait.ge [sflag:s2], $0x2800  }
0x98: {  	[sflag:s2] =	ssyncset.done $0x0  }
0x99: {  	[sflag:s2] =	ssyncadd.s32 $0xFFFFD800  }
0x9a: {  	_ =	swait.ge [sflag:s2], $0x2800  }
0x9b: {  	s13 =	sand.u32 $0x3800, s9;
	s14 =	sand.u32 $0x380, s9;
	[sflag:s2] =	ssyncset.done $0x0  }
0x9c: {  	s10 =	sor.u32 s14, s13;
	[sflag:s2] =	ssyncadd.s32 $0xFFFFD800  }
0x9d: {  	v3 =	vld [tilespmem:s10+$0x200]  }
0x9e: {  	v4 =	vld [tilespmem:s10+$0x2A00];
	_ =	sdelay $0x1  }
0x9f: {  	v5 =	vld [tilespmem:s10+$0x5200]  }
0xa0: {  	v6 =	vld [tilespmem:s10+$0x7A00];
	_ =	sdelay $0x1  }
0xa1: {  	v7 =	vld [tilespmem:s10+$0x210];
	v9 =	vadd.f32 v4, v3;
	v3 =	vsub.f32 v3, v4  }
0xa2: {  	v8 =	vld [tilespmem:s10+$0x2A10]  }
0xa3: {  	v3 =	vand.u32 $0x7FFFFFFF, v3  }
0xa4: {  	v10 =	vld [tilespmem:s10+$0x5210];
	v11 =	vadd.f32 v6, v5;
	[tilespmem:s10+$0x2A00] =	vst v3;
	v3 =	vsub.f32 v5, v6  }
0xa5: {  	v4 =	vld [tilespmem:s10+$0x7A10];
	[tilespmem:s10+$0x200] =	vst v9  }
0xa6: {  	[tilespmem:s10+$0x5200] =	vst v11;
	v3 =	vand.u32 $0x7FFFFFFF, v3  }
0xa7: {  	v9 =	vld [tilespmem:s10+$0x220];
	v11 =	vadd.f32 v8, v7;
	[tilespmem:s10+$0x7A00] =	vst v3;
	v3 =	vsub.f32 v7, v8  }
0xa8: {  	v5 =	vld [tilespmem:s10+$0x2A20]  }
0xa9: {  	[tilespmem:s10+$0x210] =	vst v11;
	v3 =	vand.u32 $0x7FFFFFFF, v3  }
0xaa: {  	v6 =	vld [tilespmem:s10+$0x5220];
	v11 =	vadd.f32 v4, v10;
	[tilespmem:s10+$0x2A10] =	vst v3;
	v3 =	vsub.f32 v10, v4  }
0xab: {  	v7 =	vld [tilespmem:s10+$0x7A20]  }
0xac: {  	[tilespmem:s10+$0x5210] =	vst v11;
	v3 =	vand.u32 $0x7FFFFFFF, v3  }
0xad: {  	v8 =	vld [tilespmem:s10+$0x230];
	v11 =	vadd.f32 v5, v9;
	[tilespmem:s10+$0x7A10] =	vst v3;
	v3 =	vsub.f32 v9, v5  }
0xae: {  	v4 =	vld [tilespmem:s10+$0x2A30]  }
0xaf: {  	[tilespmem:s10+$0x220] =	vst v11;
	v3 =	vand.u32 $0x7FFFFFFF, v3  }
0xb0: {  	v10 =	vld [tilespmem:s10+$0x5230];
	v11 =	vadd.f32 v7, v6;
	[tilespmem:s10+$0x2A20] =	vst v3;
	v3 =	vsub.f32 v6, v7  }
0xb1: {  	v5 =	vld [tilespmem:s10+$0x7A30]  }
0xb2: {  	[tilespmem:s10+$0x5220] =	vst v11;
	v3 =	vand.u32 $0x7FFFFFFF, v3  }
0xb3: {  	v9 =	vld [tilespmem:s10+$0x240];
	v11 =	vadd.f32 v4, v8;
	[tilespmem:s10+$0x7A20] =	vst v3;
	v3 =	vsub.f32 v8, v4  }
0xb4: {  	v6 =	vld [tilespmem:s10+$0x2A40]  }
0xb5: {  	[tilespmem:s10+$0x230] =	vst v11;
	v3 =	vand.u32 $0x7FFFFFFF, v3  }
0xb6: {  	v7 =	vld [tilespmem:s10+$0x5240];
	v11 =	vadd.f32 v5, v10;
	[tilespmem:s10+$0x2A30] =	vst v3;
	v3 =	vsub.f32 v10, v5  }
0xb7: {  	v4 =	vld [tilespmem:s10+$0x7A40]  }
0xb8: {  	[tilespmem:s10+$0x5230] =	vst v11;
	v3 =	vand.u32 $0x7FFFFFFF, v3  }
0xb9: {  	v8 =	vld [tilespmem:s10+$0x250];
	v11 =	vadd.f32 v6, v9;
	[tilespmem:s10+$0x7A30] =	vst v3;
	v3 =	vsub.f32 v9, v6  }
0xba: {  	v5 =	vld [tilespmem:s10+$0x2A50]  }
0xbb: {  	[tilespmem:s10+$0x240] =	vst v11;
	v3 =	vand.u32 $0x7FFFFFFF, v3  }
0xbc: {  	v10 =	vld [tilespmem:s10+$0x5250];
	v11 =	vadd.f32 v4, v7;
	[tilespmem:s10+$0x2A40] =	vst v3;
	v3 =	vsub.f32 v7, v4  }
0xbd: {  	v6 =	vld [tilespmem:s10+$0x7A50]  }
0xbe: {  	v9 =	vld [tilespmem:s10+$0x260];
	[tilespmem:s10+$0x5240] =	vst v11;
	v3 =	vand.u32 $0x7FFFFFFF, v3  }
0xbf: {  	v11 =	vadd.f32 v5, v8;
	v4 =	vld [tilespmem:s10+$0x2A60];
	[tilespmem:s10+$0x7A40] =	vst v3;
	v3 =	vsub.f32 v8, v5  }
0xc0: {  	v7 =	vld [tilespmem:s10+$0x5260]  }
0xc1: {  	[tilespmem:s10+$0x250] =	vst v11;
	v5 =	vld [tilespmem:s10+$0x7A60];
	v3 =	vand.u32 $0x7FFFFFFF, v3  }
0xc2: {  	v11 =	vadd.f32 v6, v10;
	v8 =	vld [tilespmem:s10+$0x270];
	[tilespmem:s10+$0x2A50] =	vst v3;
	v3 =	vsub.f32 v10, v6  }
0xc3: {  	v6 =	vld [tilespmem:s10+$0x2A70]  }
0xc4: {  	[tilespmem:s10+$0x5250] =	vst v11;
	v11 =	vadd.f32 v4, v9;
	v4 =	vsub.f32 v9, v4;
	v10 =	vld [tilespmem:s10+$0x5270];
	v3 =	vand.u32 $0x7FFFFFFF, v3  }
0xc5: {  	[tilespmem:s10+$0x7A50] =	vst v3;
	v3 =	vld [tilespmem:s10+$0x7A70]  }
0xc6: {  	v4 =	vand.u32 $0x7FFFFFFF, v4;
	v9 =	vadd.f32 v5, v7;
	v5 =	vsub.f32 v7, v5;
	v7 =	vld [tilespmem:s10+$0x600]  }
0xc7: {  	[tilespmem:s10+$0x2A60] =	vst v4;
	v4 =	vld [tilespmem:s10+$0x2E00]  }
0xc8: {  	[tilespmem:s10+$0x5260] =	vst v9;
	v5 =	vand.u32 $0x7FFFFFFF, v5;
	v9 =	vadd.f32 v6, v8  }
0xc9: {  	v6 =	vsub.f32 v8, v6;
	v8 =	vld [tilespmem:s10+$0x5600];
	[tilespmem:s10+$0x7A60] =	vst v5  }
0xca: {  	v5 =	vld [tilespmem:s10+$0x7E00];
	[tilespmem:s10+$0x270] =	vst v9;
	v9 =	vadd.f32 v3, v10  }
0xcb: {  	v3 =	vsub.f32 v10, v3  }
0xcc: {  	v6 =	vand.u32 $0x7FFFFFFF, v6;
	v10 =	vld [tilespmem:s10+$0x610];
	[tilespmem:s10+$0x5270] =	vst v9;
	v9 =	vadd.f32 v4, v7;
	v4 =	vsub.f32 v7, v4  }
0xcd: {  	[tilespmem:s10+$0x2A70] =	vst v6;
	v6 =	vld [tilespmem:s10+$0x2E10]  }
0xce: {  	[tilespmem:s10+$0x260] =	vst v11;
	v4 =	vand.u32 $0x7FFFFFFF, v4  }
0xcf: {  	v11 =	vld [tilespmem:s10+$0x5610];
	v3 =	vand.u32 $0x7FFFFFFF, v3;
	[tilespmem:s10+$0x2E00] =	vst v4;
	v4 =	vadd.f32 v5, v8;
	v5 =	vsub.f32 v8, v5  }
0xd0: {  	[tilespmem:s10+$0x7A70] =	vst v3;
	v3 =	vld [tilespmem:s10+$0x7E10]  }
0xd1: {  	[tilespmem:s10+$0x5600] =	vst v4;
	v4 =	vand.u32 $0x7FFFFFFF, v5  }
0xd2: {  	v7 =	vld [tilespmem:s10+$0x620];
	[tilespmem:s10+$0x7E00] =	vst v4;
	v4 =	vadd.f32 v6, v10;
	v6 =	vsub.f32 v10, v6  }
0xd3: {  	[tilespmem:s10+$0x600] =	vst v9;
	v8 =	vld [tilespmem:s10+$0x2E20]  }
0xd4: {  	[tilespmem:s10+$0x610] =	vst v4;
	v4 =	vand.u32 $0x7FFFFFFF, v6  }
0xd5: {  	v9 =	vld [tilespmem:s10+$0x7E20];
	[tilespmem:s10+$0x2E10] =	vst v4;
	v4 =	vadd.f32 v3, v11;
	v3 =	vsub.f32 v11, v3  }
0xd6: {  	v5 =	vld [tilespmem:s10+$0x5620]  }
0xd7: {  	v3 =	vand.u32 $0x7FFFFFFF, v3  }
0xd8: {  	v10 =	vld [tilespmem:s10+$0x2E30];
	[tilespmem:s10+$0x7E10] =	vst v3;
	v3 =	vadd.f32 v8, v7;
	v7 =	vsub.f32 v7, v8  }
0xd9: {  	v6 =	vld [tilespmem:s10+$0x630];
	[tilespmem:s10+$0x5610] =	vst v4  }
0xda: {  	[tilespmem:s10+$0x620] =	vst v3;
	v3 =	vand.u32 $0x7FFFFFFF, v7  }
0xdb: {  	v4 =	vld [tilespmem:s10+$0x5630];
	[tilespmem:s10+$0x2E20] =	vst v3;
	v3 =	vadd.f32 v9, v5;
	v5 =	vsub.f32 v5, v9  }
0xdc: {  	v8 =	vld [tilespmem:s10+$0x7E30]  }
0xdd: {  	[tilespmem:s10+$0x5620] =	vst v3;
	v3 =	vand.u32 $0x7FFFFFFF, v5  }
0xde: {  	v7 =	vld [tilespmem:s10+$0x640];
	v5 =	vsub.f32 v6, v10;
	[tilespmem:s10+$0x7E20] =	vst v3;
	v3 =	vadd.f32 v10, v6  }
0xdf: {  	v9 =	vld [tilespmem:s10+$0x2E40]  }
0xe0: {  	v12 =	vld [tilespmem:s10+$0x2E50];
	[tilespmem:s10+$0x630] =	vst v3;
	v3 =	vand.u32 $0x7FFFFFFF, v5  }
0xe1: {  	v11 =	vld [tilespmem:s10+$0x5640];
	[tilespmem:s10+$0x2E30] =	vst v3;
	v3 =	vadd.f32 v8, v4;
	v4 =	vsub.f32 v4, v8  }
0xe2: {  	v6 =	vld [tilespmem:s10+$0x7E40]  }
0xe3: {  	v10 =	vld [tilespmem:s10+$0x650];
	[tilespmem:s10+$0x5630] =	vst v3;
	v3 =	vand.u32 $0x7FFFFFFF, v4  }
0xe4: {  	v4 =	vsub.f32 v7, v9;
	[tilespmem:s10+$0x7E30] =	vst v3;
	v3 =	vadd.f32 v9, v7  }
0xe5: {  	v13 =	vld [tilespmem:s10+$0x5650]  }
0xe6: {  	v7 =	vld [tilespmem:s10+$0x7E50];
	[tilespmem:s10+$0x640] =	vst v3;
	v3 =	vand.u32 $0x7FFFFFFF, v4  }
0xe7: {  	v5 =	vld [tilespmem:s10+$0x660];
	v4 =	vsub.f32 v11, v6;
	[tilespmem:s10+$0x2E40] =	vst v3;
	v3 =	vadd.f32 v6, v11  }
0xe8: {  	v8 =	vld [tilespmem:s10+$0x2E60];
	v9 =	vsub.f32 v10, v12  }
0xe9: {  	v6 =	vld [tilespmem:s10+$0x7E60];
	v4 =	vand.u32 $0x7FFFFFFF, v4;
	[tilespmem:s10+$0x5640] =	vst v3  }
0xea: {  	v9 =	vand.u32 $0x7FFFFFFF, v9;
	v3 =	vld [tilespmem:s10+$0x5660];
	[tilespmem:s10+$0x7E40] =	vst v4;
	v4 =	vadd.f32 v12, v10  }
0xeb: {  	[tilespmem:s10+$0x2E50] =	vst v9;
	v9 =	vadd.f32 v7, v13;
	v10 =	vsub.f32 v13, v7;
	v7 =	vld [tilespmem:s10+$0x2E70]  }
0xec: {  	s11 =	simm.s32 $0x100;
	[tilespmem:s10+$0x650] =	vst v4;
	v4 =	vld [tilespmem:s10+$0x670]  }
.LBB2_3:
0xed: {  	p0 =	sne.s32 s11, $0x2700;
	[tilespmem:s10+$0x5650] =	vst v9;
	v9 =	vand.u32 $0x7FFFFFFF, v10;
	v10 =	vadd.f32 v8, v5;
	v5 =	vsub.f32 v5, v8;
	v8 =	vld [tilespmem:s10+$0x5670];
	s9 =	sadd.s32 $0x80, s9  }
0xee: {  	s13 =	sand.u32 $0x3800, s11;
	s14 =	sand.u32 $0x380, s9;
	[tilespmem:s10+$0x7E50] =	vst v9;
	v9 =	vld [tilespmem:s10+$0x7E70]  }
0xef: {  	s13 =	sor.u32 s14, s13;
	[tilespmem:s10+$0x660] =	vst v10;
	v5 =	vand.u32 $0x7FFFFFFF, v5;
	v10 =	vadd.f32 v6, v3;
	v3 =	vsub.f32 v3, v6  }
0xf0: {  	v6 =	vld [tilespmem:s13+$0x200];
	[tilespmem:s10+$0x2E60] =	vst v5  }
0xf1: {  	v5 =	vld [tilespmem:s13+$0x2A00];
	[tilespmem:s10+$0x5660] =	vst v10;
	v3 =	vand.u32 $0x7FFFFFFF, v3;
	v10 =	vadd.f32 v7, v4;
	v4 =	vsub.f32 v4, v7  }
0xf2: {  	v7 =	vld [tilespmem:s13+$0x5200];
	[tilespmem:s10+$0x7E60] =	vst v3  }
0xf3: {  	v3 =	vld [tilespmem:s13+$0x7A00];
	[tilespmem:s10+$0x670] =	vst v10;
	v4 =	vand.u32 $0x7FFFFFFF, v4;
	v10 =	vadd.f32 v9, v8;
	v8 =	vsub.f32 v8, v9  }
0xf4: {  	v9 =	vld [tilespmem:s13+$0x210];
	[tilespmem:s10+$0x2E70] =	vst v4  }
0xf5: {  	v4 =	vld [tilespmem:s13+$0x2A10];
	[tilespmem:s10+$0x5670] =	vst v10;
	v8 =	vand.u32 $0x7FFFFFFF, v8  }
0xf6: {  	v10 =	vadd.f32 v5, v6;
	v5 =	vsub.f32 v6, v5;
	v6 =	vld [tilespmem:s13+$0x5210];
	[tilespmem:s10+$0x7E70] =	vst v8;
	s10 =	smov.u32 s13  }
0xf7: {  	v8 =	vld [tilespmem:s10+$0x7A10]  }
0xf8: {  	[tilespmem:s10+$0x200] =	vst v10;
	v5 =	vand.u32 $0x7FFFFFFF, v5;
	v10 =	vadd.f32 v3, v7;
	v3 =	vsub.f32 v7, v3;
	v7 =	vld [tilespmem:s10+$0x220]  }
0xf9: {  	[tilespmem:s10+$0x2A00] =	vst v5;
	v5 =	vld [tilespmem:s10+$0x2A20]  }
0xfa: {  	[tilespmem:s10+$0x5200] =	vst v10;
	v3 =	vand.u32 $0x7FFFFFFF, v3;
	v10 =	vadd.f32 v4, v9;
	v4 =	vsub.f32 v9, v4;
	v9 =	vld [tilespmem:s10+$0x5220]  }
0xfb: {  	[tilespmem:s10+$0x7A00] =	vst v3;
	v3 =	vld [tilespmem:s10+$0x7A20]  }
0xfc: {  	[tilespmem:s10+$0x210] =	vst v10;
	v4 =	vand.u32 $0x7FFFFFFF, v4;
	v10 =	vadd.f32 v8, v6;
	v6 =	vsub.f32 v6, v8;
	v8 =	vld [tilespmem:s10+$0x230]  }
0xfd: {  	[tilespmem:s10+$0x2A10] =	vst v4;
	v4 =	vld [tilespmem:s10+$0x2A30]  }
0xfe: {  	[tilespmem:s10+$0x5210] =	vst v10;
	v6 =	vand.u32 $0x7FFFFFFF, v6;
	v10 =	vadd.f32 v5, v7;
	v5 =	vsub.f32 v7, v5;
	v7 =	vld [tilespmem:s10+$0x5230]  }
0xff: {  	[tilespmem:s10+$0x7A10] =	vst v6;
	v6 =	vld [tilespmem:s10+$0x7A30]  }
0x100: {  	[tilespmem:s10+$0x220] =	vst v10;
	v5 =	vand.u32 $0x7FFFFFFF, v5;
	v10 =	vadd.f32 v3, v9;
	v3 =	vsub.f32 v9, v3;
	v9 =	vld [tilespmem:s10+$0x240]  }
0x101: {  	[tilespmem:s10+$0x2A20] =	vst v5;
	v5 =	vld [tilespmem:s10+$0x2A40]  }
0x102: {  	[tilespmem:s10+$0x5220] =	vst v10;
	v3 =	vand.u32 $0x7FFFFFFF, v3;
	v10 =	vadd.f32 v4, v8;
	v4 =	vsub.f32 v8, v4;
	v8 =	vld [tilespmem:s10+$0x5240]  }
0x103: {  	[tilespmem:s10+$0x7A20] =	vst v3;
	v3 =	vld [tilespmem:s10+$0x7A40]  }
0x104: {  	[tilespmem:s10+$0x230] =	vst v10;
	v4 =	vand.u32 $0x7FFFFFFF, v4;
	v10 =	vadd.f32 v6, v7;
	v6 =	vsub.f32 v7, v6;
	v7 =	vld [tilespmem:s10+$0x250]  }
0x105: {  	[tilespmem:s10+$0x2A30] =	vst v4;
	v4 =	vld [tilespmem:s10+$0x2A50]  }
0x106: {  	[tilespmem:s10+$0x5230] =	vst v10;
	v6 =	vand.u32 $0x7FFFFFFF, v6;
	v10 =	vadd.f32 v5, v9;
	v5 =	vsub.f32 v9, v5;
	v9 =	vld [tilespmem:s10+$0x5250]  }
0x107: {  	[tilespmem:s10+$0x7A30] =	vst v6;
	v6 =	vld [tilespmem:s10+$0x7A50]  }
0x108: {  	[tilespmem:s10+$0x240] =	vst v10;
	v5 =	vand.u32 $0x7FFFFFFF, v5;
	v10 =	vadd.f32 v3, v8;
	v3 =	vsub.f32 v8, v3;
	v8 =	vld [tilespmem:s10+$0x260]  }
0x109: {  	[tilespmem:s10+$0x2A40] =	vst v5;
	v5 =	vld [tilespmem:s10+$0x2A60]  }
0x10a: {  	[tilespmem:s10+$0x5240] =	vst v10;
	v3 =	vand.u32 $0x7FFFFFFF, v3;
	v10 =	vadd.f32 v4, v7;
	v4 =	vsub.f32 v7, v4;
	v7 =	vld [tilespmem:s10+$0x5260]  }
0x10b: {  	[tilespmem:s10+$0x7A40] =	vst v3;
	v3 =	vld [tilespmem:s10+$0x7A60]  }
0x10c: {  	[tilespmem:s10+$0x250] =	vst v10;
	v4 =	vand.u32 $0x7FFFFFFF, v4;
	v10 =	vadd.f32 v6, v9;
	v6 =	vsub.f32 v9, v6;
	v9 =	vld [tilespmem:s10+$0x270]  }
0x10d: {  	[tilespmem:s10+$0x2A50] =	vst v4;
	v4 =	vld [tilespmem:s10+$0x2A70]  }
0x10e: {  	[tilespmem:s10+$0x5250] =	vst v10;
	v6 =	vand.u32 $0x7FFFFFFF, v6;
	v10 =	vadd.f32 v5, v8;
	v5 =	vsub.f32 v8, v5;
	v8 =	vld [tilespmem:s10+$0x5270]  }
0x10f: {  	[tilespmem:s10+$0x7A50] =	vst v6;
	v6 =	vld [tilespmem:s10+$0x7A70]  }
0x110: {  	[tilespmem:s10+$0x260] =	vst v10;
	v5 =	vand.u32 $0x7FFFFFFF, v5;
	v10 =	vadd.f32 v3, v7;
	v3 =	vsub.f32 v7, v3;
	v7 =	vld [tilespmem:s10+$0x600]  }
0x111: {  	[tilespmem:s10+$0x2A60] =	vst v5;
	v5 =	vld [tilespmem:s10+$0x2E00]  }
0x112: {  	[tilespmem:s10+$0x5260] =	vst v10;
	v3 =	vand.u32 $0x7FFFFFFF, v3;
	v10 =	vadd.f32 v4, v9;
	v4 =	vsub.f32 v9, v4;
	v9 =	vld [tilespmem:s10+$0x5600]  }
0x113: {  	[tilespmem:s10+$0x7A60] =	vst v3;
	v3 =	vld [tilespmem:s10+$0x7E00]  }
0x114: {  	[tilespmem:s10+$0x270] =	vst v10;
	v4 =	vand.u32 $0x7FFFFFFF, v4;
	v10 =	vadd.f32 v6, v8;
	v6 =	vsub.f32 v8, v6;
	v8 =	vld [tilespmem:s10+$0x610]  }
0x115: {  	[tilespmem:s10+$0x2A70] =	vst v4;
	v4 =	vld [tilespmem:s10+$0x2E10]  }
0x116: {  	[tilespmem:s10+$0x5270] =	vst v10;
	v6 =	vand.u32 $0x7FFFFFFF, v6;
	v10 =	vadd.f32 v5, v7;
	v5 =	vsub.f32 v7, v5;
	v7 =	vld [tilespmem:s10+$0x5610]  }
0x117: {  	[tilespmem:s10+$0x7A70] =	vst v6;
	v6 =	vld [tilespmem:s10+$0x7E10]  }
0x118: {  	[tilespmem:s10+$0x600] =	vst v10;
	v5 =	vand.u32 $0x7FFFFFFF, v5;
	v10 =	vadd.f32 v3, v9;
	v3 =	vsub.f32 v9, v3;
	v9 =	vld [tilespmem:s10+$0x620]  }
0x119: {  	[tilespmem:s10+$0x2E00] =	vst v5;
	v5 =	vld [tilespmem:s10+$0x2E20]  }
0x11a: {  	[tilespmem:s10+$0x5600] =	vst v10;
	v3 =	vand.u32 $0x7FFFFFFF, v3;
	v10 =	vadd.f32 v4, v8;
	v4 =	vsub.f32 v8, v4;
	v8 =	vld [tilespmem:s10+$0x5620]  }
0x11b: {  	[tilespmem:s10+$0x7E00] =	vst v3;
	v3 =	vld [tilespmem:s10+$0x7E20]  }
0x11c: {  	[tilespmem:s10+$0x610] =	vst v10;
	v4 =	vand.u32 $0x7FFFFFFF, v4;
	v10 =	vadd.f32 v6, v7;
	v6 =	vsub.f32 v7, v6;
	v7 =	vld [tilespmem:s10+$0x630]  }
0x11d: {  	[tilespmem:s10+$0x2E10] =	vst v4;
	v4 =	vld [tilespmem:s10+$0x2E30]  }
0x11e: {  	[tilespmem:s10+$0x5610] =	vst v10;
	v6 =	vand.u32 $0x7FFFFFFF, v6;
	v10 =	vadd.f32 v5, v9;
	v5 =	vsub.f32 v9, v5;
	v9 =	vld [tilespmem:s10+$0x5630]  }
0x11f: {  	[tilespmem:s10+$0x7E10] =	vst v6;
	v6 =	vld [tilespmem:s10+$0x7E30]  }
0x120: {  	[tilespmem:s10+$0x620] =	vst v10;
	v5 =	vand.u32 $0x7FFFFFFF, v5;
	v10 =	vadd.f32 v3, v8;
	v3 =	vsub.f32 v8, v3;
	v8 =	vld [tilespmem:s10+$0x640]  }
0x121: {  	[tilespmem:s10+$0x2E20] =	vst v5;
	v5 =	vld [tilespmem:s10+$0x2E40]  }
0x122: {  	[tilespmem:s10+$0x5620] =	vst v10;
	v3 =	vand.u32 $0x7FFFFFFF, v3;
	v10 =	vadd.f32 v4, v7;
	v4 =	vsub.f32 v7, v4;
	v7 =	vld [tilespmem:s10+$0x5640]  }
0x123: {  	[tilespmem:s10+$0x7E20] =	vst v3;
	v3 =	vld [tilespmem:s10+$0x7E40]  }
0x124: {  	[tilespmem:s10+$0x630] =	vst v10;
	v4 =	vand.u32 $0x7FFFFFFF, v4;
	v10 =	vadd.f32 v6, v9;
	v6 =	vsub.f32 v9, v6;
	v9 =	vld [tilespmem:s10+$0x650]  }
0x125: {  	[tilespmem:s10+$0x2E30] =	vst v4;
	v4 =	vld [tilespmem:s10+$0x2E50]  }
0x126: {  	[tilespmem:s10+$0x5630] =	vst v10;
	v6 =	vand.u32 $0x7FFFFFFF, v6;
	v10 =	vadd.f32 v5, v8;
	v5 =	vsub.f32 v8, v5;
	v11 =	vld [tilespmem:s10+$0x5650]  }
0x127: {  	[tilespmem:s10+$0x7E30] =	vst v6;
	v12 =	vld [tilespmem:s10+$0x7E50]  }
0x128: {  	[tilespmem:s10+$0x640] =	vst v10;
	v6 =	vand.u32 $0x7FFFFFFF, v5;
	v10 =	vadd.f32 v3, v7;
	v3 =	vsub.f32 v7, v3;
	v5 =	vld [tilespmem:s10+$0x660]  }
.Ltmp0:
0x129: {  	[tilespmem:s10+$0x2E40] =	vst v6;
	v8 =	vld [tilespmem:s10+$0x2E60];
	(pc) =	sbr.rel @p0 .LBB2_3-.Ltmp0, $4  }
0x12a: {  	[tilespmem:s10+$0x5640] =	vst v10;
	v6 =	vand.u32 $0x7FFFFFFF, v3;
	v7 =	vadd.f32 v4, v9;
	v4 =	vsub.f32 v9, v4;
	v3 =	vld [tilespmem:s10+$0x5660]  }
0x12b: {  	[tilespmem:s10+$0x7E40] =	vst v6;
	v6 =	vld [tilespmem:s10+$0x7E60]  }
0x12c: {  	[tilespmem:s10+$0x650] =	vst v7;
	v7 =	vand.u32 $0x7FFFFFFF, v4;
	v9 =	vadd.f32 v12, v11;
	v10 =	vsub.f32 v11, v12;
	v4 =	vld [tilespmem:s10+$0x670]  }
0x12d: {  	s11 =	sadd.s32 $0x100, s11;
	[tilespmem:s10+$0x2E50] =	vst v7;
	v7 =	vld [tilespmem:s10+$0x2E70]  }
0x12e: {  	[tilespmem:s10+$0x5650] =	vst v9;
	v55 =	vand.u32 $0x7FFFFFFF, v10;
	v56 =	vld [tilespmem:s10+$0x5670];
	v11 =	vadd.f32 v8, v5;
	v57 =	vsub.f32 v5, v8  }
0x12f: {  	v58 =	vld [tilespmem:s10+$0x7E70];
	[tilespmem:s10+$0x7E50] =	vst v55  }
0x130: {  	[tilespmem:s10+$0x660] =	vst v11;
	v5 =	vand.u32 $0x7FFFFFFF, v57;
	v59 =	vadd.f32 v6, v3;
	v3 =	vsub.f32 v3, v6  }
0x131: {  	[tilespmem:s10+$0x2E60] =	vst v5  }
0x132: {  	[tilespmem:s10+$0x5660] =	vst v59;
	v3 =	vand.u32 $0x7FFFFFFF, v3;
	v60 =	vadd.f32 v7, v4;
	v61 =	vsub.f32 v4, v7  }
0x133: {  	[tilespmem:s10+$0x7E60] =	vst v3  }
0x134: {  	v62 =	vadd.f32 v58, v56;
	v63 =	vsub.f32 v56, v58;
	[tilespmem:s10+$0x670] =	vst v60;
	v3 =	vand.u32 $0x7FFFFFFF, v61  }
0x135: {  	[tilespmem:s10+$0x2E70] =	vst v3  }
0x136: {  	s3 =	sshll.u32 s3, $0x5;
	[tilespmem:s10+$0x5670] =	vst v62;
	v3 =	vand.u32 $0x7FFFFFFF, v63  }
0x137: {  	s9 =	sadd.s32 s4, s3;
	[tilespmem:s10+$0x7E70] =	vst v3  }
0x138: {  	[hbm4b:s9+s5] =	stream.linear.scatter [tilespmem:s12], [sflag:$0x2], $0x2800, $0x38;
	[tilespmem:$0xA200] =	vst v63  }
0x139: {  	s3 =	sand.u32 $0x1FFFFFE0, s3;
	_ =	swait.ge [sflag:s8], $0x2800  }
0x13a: {  	s3 =	sadd.s32 s4, s3;
	[sflag:s8] =	ssyncset.done $0x0  }
0x13b: {  	s13 =	sadd.s32 $0x4E2000, s3;
	[sflag:s8] =	ssyncadd.s32 $0xFFFFD800  }
0x13c: {  	[hbm4b:s13+s5] =	stream.linear.scatter [tilespmem:s17], [sflag:$0x2], $0x2800, $0x38;
	[tilespmem:$0xA200] =	vst v63  }
0x13d: {  	_ =	swait.ge [sflag:s8], $0x2800  }
0x13e: {  	[sflag:s8] =	ssyncset.done $0x0  }
0x13f: {  	s14 =	sadd.s32 $0x9C4000, s3;
	[sflag:s8] =	ssyncadd.s32 $0xFFFFD800  }
0x140: {  	[hbm4b:s14+s5] =	stream.linear.scatter [tilespmem:s22], [sflag:$0x2], $0x2800, $0x38;
	[tilespmem:$0xA200] =	vst v63  }
0x141: {  	s7 =	sadd.s32 $0x1, s7;
	_ =	swait.ge [sflag:s8], $0x2800  }
0x142: {  	p0 =	sne.s32 s7, $0x7D;
	[sflag:s8] =	ssyncset.done $0x0  }
.Ltmp1:
0x143: {  	s3 =	sadd.s32 $0xEA6000, s3;
	[sflag:s8] =	ssyncadd.s32 $0xFFFFD800;
	(pc) =	sbr.rel @p0 .LBB2_2-.Ltmp1, $4  }
0x144: {  	[hbm4b:s3+s5] =	stream.linear.scatter [tilespmem:s28], [sflag:$0x2], $0x2800, $0x38;
	[tilespmem:$0xA200] =	vst v63  }
0x145: {  	_ =	swait.ge [sflag:s8], $0x2800  }
0x146: {  	[sflag:s8] =	ssyncset.done $0x0  }
0x147: {  	[sflag:s8] =	ssyncadd.s32 $0xFFFFD800  }
0x148: {  	s7 =	rddreg [dreg:$0x5]  }
0x149: {  	s3 =	rddreg [dreg:$0x4];
	s7 =	sadd.s32 $0x1, s7  }
0x14a: {  	p0 =	sne.s32 s7, s3  }
.Ltmp2:
0x14b: {  	_ = 	snop;
	(pc) =	sbr.rel @p0 .LBB2_1-.Ltmp2, $1  }
0x14c: {  	_ =	sdelay $0x3  }
0x14d: {  	_ =	sfence.sel $0x180000  }
0x14e: {  	[bflag:$0x0] =	sbarrier.arrive $0xFFFF  }
0x14f: {  	_ =	strace $0x90000047  }
0x150: {  	s0 =	stileid.u32;
	[bflag:$0x2] =	sbarrier.arrive $0xFFFF  }
0x151: {  	p0 =	sne.s32 s0, $0x0;
	s0 =	rddreg [dreg:$0x3]  }
0x152: {  	s0 =	sadd.s32 @!p0 $0x100000, s0  }
0x153: {  	[sflag:s0] =	ssyncadd.tile.s32 @!p0 $0x1;
	_ =	shalt  }
.Lfunc_end2:
_tile_overlayer_lowered:
.L_overlay_start_2:
0x154: {  	(tag) =	ssettag $0x2  }
0x155: {  	s0 =	rddreg [dreg:$0x0];
	s2 =	stileid.u32  }
0x156: {  	s1 =	rddreg [dreg:$0x1];
	p0 =	sne.s32 s2, $0x0  }
0x157: {  	s3 =	rddreg [dreg:$0x2];
	[bflag:$0x3] =	sbarrier.arrive $0xFFFF;
	s2 =	simm.s32 @!p0 $0x1C02  }
0x158: {  	[timem:s3], [sflag:s2] =	dma.local @!p0 [hbm:s0], s1  }
0x159: {  	s0 =	simm.s32 @!p0 $0x2  }
0x15a: {  	_ =	swait.ge @!p0 [sflag:s0], s1  }
0x15b: {  	s1 =	ssub.s32 @!p0 $0x0, s1;
	[sflag:s0] =	ssyncset.done @!p0 $0x0  }
0x15c: {  	[sflag:s0] =	ssyncadd.s32 @!p0 s1  }
0x15d: {  	[bflag:$0x3] =	sbarrier.arrive $0xFFFF  }
0x15e: {  	_ =	shalt  }

</sc_bundles>
